<compile_context>
chip_gen: v7x
topology: tpu7x:2x2x1
jax: 0.10.2.dev20260603
libtpu: 0.0.44.dev20260713+nightly
codegen_flags: <defaults>
</compile_context>

<pallas_src>
import functools

import jax
import jax.numpy as jnp
from jax import lax
from jax.experimental import pallas as pl
from jax.experimental.pallas import tpu as pltpu
from jax.experimental.pallas import tpu_sc as plsc

_NUM_CLASSES = 100000
_D = 128
_B = 16384
_NC = 2
_NS = 16
_NW = _NC * _NS
_BPW = _B // _NW
_CH = 128
_NCHUNK = _BPW // _CH


def _sc_body(x_hbm, lab_hbm, cen_hbm, out_hbm, idx_v, c_v, x_v, acc_v,
             sem_i, sem_c, sem_x):
    wid = lax.axis_index("s") * _NC + lax.axis_index("c")
    base = wid * _BPW
    idx_cps = [
        pltpu.async_copy(lab_hbm.at[pl.ds(base + j * _CH, _CH)], idx_v.at[j],
                         sem_i)
        for j in range(_NCHUNK)
    ]
    x_cps = [
        pltpu.async_copy(x_hbm.at[pl.ds(base + j * _CH, _CH)],
                         x_v.at[pl.ds(j * _CH, _CH)], sem_x)
        for j in range(_NCHUNK)
    ]
    for cp in idx_cps:
        cp.wait()
    pltpu.async_copy(cen_hbm.at[idx_v.at[0]], c_v.at[0], sem_c)
    del x_cps
    last_lane = lax.iota(jnp.int32, 16) == 15
    zeros = jnp.zeros((16,), jnp.float32)

    def chunk_body(j, acc):
        p = lax.rem(j, 2)
        pltpu.make_async_copy(cen_hbm.at[idx_v.at[j]], c_v.at[p], sem_c).wait()
        pltpu.make_async_copy(x_hbm.at[pl.ds(base + j * _CH, _CH)],
                              x_v.at[pl.ds(j * _CH, _CH)], sem_x).wait()

        @pl.when(j < _NCHUNK - 1)
        def _():
            pltpu.async_copy(cen_hbm.at[idx_v.at[j + 1]], c_v.at[1 - p],
                             sem_c)

        rbase = j * _CH

        @plsc.parallel_loop(0, _CH, unroll=4, carry=acc)
        def row_body(r, acc, p=p, rbase=rbase, last_lane=last_lane,
                     zeros=zeros):
            parts = []
            for k in range(8):
                xk = x_v[rbase + r, pl.ds(k * 16, 16)]
                ck = c_v[p, r, pl.ds(k * 16, 16)]
                d = xk - ck
                parts.append(d * d)
            s01 = parts[0] + parts[1]
            s23 = parts[2] + parts[3]
            s45 = parts[4] + parts[5]
            s67 = parts[6] + parts[7]
            s = (s01 + s23) + (s45 + s67)
            tot = plsc.cumsum(s)
            tot = jnp.minimum(jnp.maximum(tot, 1e-12), 1e12)
            return acc + jnp.where(last_lane, tot, zeros)

        return row_body

    acc = lax.fori_loop(0, _NCHUNK, chunk_body, zeros)
    acc_v[...] = acc
    pltpu.sync_copy(acc_v, out_hbm.at[wid])


_sc_dist = functools.partial(
    pl.kernel,
    out_type=jax.ShapeDtypeStruct((_NW, 16), jnp.float32),
    mesh=plsc.VectorSubcoreMesh(core_axis_name="c", subcore_axis_name="s"),
    compiler_params=pltpu.CompilerParams(needs_layout_passes=False),
    scratch_types=[
        pltpu.VMEM((_NCHUNK, _CH), jnp.int32),
        pltpu.VMEM((2, _CH, _D), jnp.float32),
        pltpu.VMEM((_BPW, _D), jnp.float32),
        pltpu.VMEM((16,), jnp.float32),
        pltpu.SemaphoreType.DMA,
        pltpu.SemaphoreType.DMA,
        pltpu.SemaphoreType.DMA,
    ],
)(_sc_body)


def _tc_finish(d_ref, o_ref):
    o_ref[...] = jnp.sum(d_ref[...], axis=(0, 1), keepdims=True) * (1.0 / _B)


_finish = pl.pallas_call(
    _tc_finish,
    out_shape=jax.ShapeDtypeStruct((1, 1), jnp.float32),
)


def kernel(x, labels, centers):
    partials = _sc_dist(x, labels.astype(jnp.int32), centers)
    return _finish(partials)[0, 0]

# --- scband reference (transcript-rebuilt; emitter-appended) ---
"""Pipeline reference for scband-center-loss-26010321945186 (READ-ONLY COPY).

The authoritative reference and input builder live on the scoring server;
editing this copy changes nothing except your own understanding.
"""

import jax, jax.numpy as jnp
import numpy as np

NUM_CLASSES = 100000
FEAT_DIM = 128
BATCH = 16384

def setup_inputs(seed: int = 0) -> dict:
    key = jax.random.key(seed)
    k1, k2, k3 = jax.random.split(key, 3)
    x = jax.random.normal(k1, (BATCH, FEAT_DIM), dtype=jnp.float32)
    labels = jax.random.randint(k2, (BATCH,), 0, NUM_CLASSES, dtype=jnp.int64)
    centers = jax.random.normal(k3, (NUM_CLASSES, FEAT_DIM), dtype=jnp.float32)
    return {"x": x, "labels": labels, "centers": centers}

def reference(x, labels, centers):
    # center = self.centers[labels]  (gather rows of the centers table)
    center = jnp.take(centers, labels, axis=0)
    # dist = (x - center).pow(2).sum(dim=-1)
    dist = jnp.sum((x - center) ** 2, axis=-1)
    # loss = clamp(dist, 1e-12, 1e12).mean(dim=-1)
    loss = jnp.clip(dist, 1e-12, 1000000000000.0).mean(axis=-1)
    return loss

if __name__ == "__main__":
    import jax
    _d = setup_inputs()
    print(jax.jit(kernel)(*tuple(_d.values())))

</pallas_src>

<mosaic_0001>
#map = affine_map<(d0, d1) -> (0, 0)>
#map1 = affine_map<(d0, d1) -> (0)>
module attributes {stable_mosaic.version = 14 : i64} {
  func.func @_sc_body(%arg0: i32, %arg1: i32, %arg2: memref<16384x128xf32, #tpu.memory_space<hbm>>, %arg3: memref<16384xi32, #tpu.memory_space<hbm>>, %arg4: memref<100000x128xf32, #tpu.memory_space<hbm>>, %arg5: memref<32x16xf32, #tpu.memory_space<hbm>>, %arg6: memref<4x128xi32, #tpu.memory_space<vmem>>, %arg7: memref<2x128x128xf32, #tpu.memory_space<vmem>>, %arg8: memref<512x128xf32, #tpu.memory_space<vmem>>, %arg9: memref<16xf32, #tpu.memory_space<vmem>>, %arg10: memref<!tpu.dma_semaphore, #tpu.memory_space<semaphore_mem>>, %arg11: memref<!tpu.dma_semaphore, #tpu.memory_space<semaphore_mem>>, %arg12: memref<!tpu.dma_semaphore, #tpu.memory_space<semaphore_mem>>) attributes {dimension_semantics = [#tpu.dimension_semantics<core_parallel>, #tpu.dimension_semantics<subcore_parallel>], iteration_bounds = array<i64: 2, 16>, scalar_prefetch = 0 : i64, scratch_operands = 7 : i64, tpu.core_type = #tpu.core_type<sc_vector_subcore>, window_params = [{transform_indices = #map}, {transform_indices = #map1}, {transform_indices = #map}, {transform_indices = #map}]} {
    %mul3A = arith.constant 2 : i32
    %mul3A_0 = arith.muli %arg1, %mul3A : i32
    %add3A = arith.addi %mul3A_0, %arg0 : i32
    %mul3A_1 = arith.constant 512 : i32
    %mul3A_2 = arith.muli %add3A, %mul3A_1 : i32
    %add3A_3 = arith.constant 0 : i32
    %add3A_4 = arith.addi %mul3A_2, %add3A_3 : i32
    %dma_start3A = arith.constant 0 : i32
    %dma_start3A_5 = arith.constant 0 : i32
    %dma_start3A_6 = tpu.memref_slice %arg6[%dma_start3A, %dma_start3A_5] : memref<4x128xi32, #tpu.memory_space<vmem>> -> memref<1x128xi32, #tpu.memory_space<vmem>>
    %dma_start3A_7 = tpu.memref_squeeze %dma_start3A_6 : memref<1x128xi32, #tpu.memory_space<vmem>> -> memref<128xi32, #tpu.memory_space<vmem>>
    %dma_start3A_8 = tpu.memref_slice %arg3[%add3A_4] : memref<16384xi32, #tpu.memory_space<hbm>> -> memref<128xi32, #tpu.memory_space<hbm>>
    %dma_start3A_9 = arith.constant 0 : i32
    %dma_start3A_10 = tpu.memref_slice %arg6[%dma_start3A, %dma_start3A_9] : memref<4x128xi32, #tpu.memory_space<vmem>> -> memref<1x128xi32, #tpu.memory_space<vmem>>
    %dma_start3A_11 = tpu.memref_squeeze %dma_start3A_10 : memref<1x128xi32, #tpu.memory_space<vmem>> -> memref<128xi32, #tpu.memory_space<vmem>>
    %dma_start3A_12 = tpu.memref_slice %arg3[%add3A_4] : memref<16384xi32, #tpu.memory_space<hbm>> -> memref<128xi32, #tpu.memory_space<hbm>>
    tpu.enqueue_dma source(%dma_start3A_12 : memref<128xi32, #tpu.memory_space<hbm>>) target(%dma_start3A_11 : memref<128xi32, #tpu.memory_space<vmem>>) target_semaphore(%arg10 : memref<!tpu.dma_semaphore, #tpu.memory_space<semaphore_mem>>)
    %add3A_13 = arith.constant 128 : i32
    %add3A_14 = arith.addi %mul3A_2, %add3A_13 : i32
    %dma_start3A_15 = arith.constant 1 : i32
    %dma_start3A_16 = arith.constant 0 : i32
    %dma_start3A_17 = tpu.memref_slice %arg6[%dma_start3A_15, %dma_start3A_16] : memref<4x128xi32, #tpu.memory_space<vmem>> -> memref<1x128xi32, #tpu.memory_space<vmem>>
    %dma_start3A_18 = tpu.memref_squeeze %dma_start3A_17 : memref<1x128xi32, #tpu.memory_space<vmem>> -> memref<128xi32, #tpu.memory_space<vmem>>
    %dma_start3A_19 = tpu.memref_slice %arg3[%add3A_14] : memref<16384xi32, #tpu.memory_space<hbm>> -> memref<128xi32, #tpu.memory_space<hbm>>
    %dma_start3A_20 = arith.constant 0 : i32
    %dma_start3A_21 = tpu.memref_slice %arg6[%dma_start3A_15, %dma_start3A_20] : memref<4x128xi32, #tpu.memory_space<vmem>> -> memref<1x128xi32, #tpu.memory_space<vmem>>
    %dma_start3A_22 = tpu.memref_squeeze %dma_start3A_21 : memref<1x128xi32, #tpu.memory_space<vmem>> -> memref<128xi32, #tpu.memory_space<vmem>>
    %dma_start3A_23 = tpu.memref_slice %arg3[%add3A_14] : memref<16384xi32, #tpu.memory_space<hbm>> -> memref<128xi32, #tpu.memory_space<hbm>>
    tpu.enqueue_dma source(%dma_start3A_23 : memref<128xi32, #tpu.memory_space<hbm>>) target(%dma_start3A_22 : memref<128xi32, #tpu.memory_space<vmem>>) target_semaphore(%arg10 : memref<!tpu.dma_semaphore, #tpu.memory_space<semaphore_mem>>)
    %add3A_24 = arith.constant 256 : i32
    %add3A_25 = arith.addi %mul3A_2, %add3A_24 : i32
    %dma_start3A_26 = arith.constant 2 : i32
    %dma_start3A_27 = arith.constant 0 : i32
    %dma_start3A_28 = tpu.memref_slice %arg6[%dma_start3A_26, %dma_start3A_27] : memref<4x128xi32, #tpu.memory_space<vmem>> -> memref<1x128xi32, #tpu.memory_space<vmem>>
    %dma_start3A_29 = tpu.memref_squeeze %dma_start3A_28 : memref<1x128xi32, #tpu.memory_space<vmem>> -> memref<128xi32, #tpu.memory_space<vmem>>
    %dma_start3A_30 = tpu.memref_slice %arg3[%add3A_25] : memref<16384xi32, #tpu.memory_space<hbm>> -> memref<128xi32, #tpu.memory_space<hbm>>
    %dma_start3A_31 = arith.constant 0 : i32
    %dma_start3A_32 = tpu.memref_slice %arg6[%dma_start3A_26, %dma_start3A_31] : memref<4x128xi32, #tpu.memory_space<vmem>> -> memref<1x128xi32, #tpu.memory_space<vmem>>
    %dma_start3A_33 = tpu.memref_squeeze %dma_start3A_32 : memref<1x128xi32, #tpu.memory_space<vmem>> -> memref<128xi32, #tpu.memory_space<vmem>>
    %dma_start3A_34 = tpu.memref_slice %arg3[%add3A_25] : memref<16384xi32, #tpu.memory_space<hbm>> -> memref<128xi32, #tpu.memory_space<hbm>>
    tpu.enqueue_dma source(%dma_start3A_34 : memref<128xi32, #tpu.memory_space<hbm>>) target(%dma_start3A_33 : memref<128xi32, #tpu.memory_space<vmem>>) target_semaphore(%arg10 : memref<!tpu.dma_semaphore, #tpu.memory_space<semaphore_mem>>)
    %add3A_35 = arith.constant 384 : i32
    %add3A_36 = arith.addi %mul3A_2, %add3A_35 : i32
    %dma_start3A_37 = arith.constant 3 : i32
    %dma_start3A_38 = arith.constant 0 : i32
    %dma_start3A_39 = tpu.memref_slice %arg6[%dma_start3A_37, %dma_start3A_38] : memref<4x128xi32, #tpu.memory_space<vmem>> -> memref<1x128xi32, #tpu.memory_space<vmem>>
    %dma_start3A_40 = tpu.memref_squeeze %dma_start3A_39 : memref<1x128xi32, #tpu.memory_space<vmem>> -> memref<128xi32, #tpu.memory_space<vmem>>
    %dma_start3A_41 = tpu.memref_slice %arg3[%add3A_36] : memref<16384xi32, #tpu.memory_space<hbm>> -> memref<128xi32, #tpu.memory_space<hbm>>
    %dma_start3A_42 = arith.constant 0 : i32
    %dma_start3A_43 = tpu.memref_slice %arg6[%dma_start3A_37, %dma_start3A_42] : memref<4x128xi32, #tpu.memory_space<vmem>> -> memref<1x128xi32, #tpu.memory_space<vmem>>
    %dma_start3A_44 = tpu.memref_squeeze %dma_start3A_43 : memref<1x128xi32, #tpu.memory_space<vmem>> -> memref<128xi32, #tpu.memory_space<vmem>>
    %dma_start3A_45 = tpu.memref_slice %arg3[%add3A_36] : memref<16384xi32, #tpu.memory_space<hbm>> -> memref<128xi32, #tpu.memory_space<hbm>>
    tpu.enqueue_dma source(%dma_start3A_45 : memref<128xi32, #tpu.memory_space<hbm>>) target(%dma_start3A_44 : memref<128xi32, #tpu.memory_space<vmem>>) target_semaphore(%arg10 : memref<!tpu.dma_semaphore, #tpu.memory_space<semaphore_mem>>)
    %add3A_46 = arith.constant 0 : i32
    %add3A_47 = arith.addi %mul3A_2, %add3A_46 : i32
    %dma_start3A_48 = arith.constant 0 : i32
    %dma_start3A_49 = arith.constant 0 : i32
    %dma_start3A_50 = tpu.memref_slice %arg8[%dma_start3A_48, %dma_start3A_49] : memref<512x128xf32, #tpu.memory_space<vmem>> -> memref<128x128xf32, #tpu.memory_space<vmem>>
    %dma_start3A_51 = arith.constant 0 : i32
    %dma_start3A_52 = tpu.memref_slice %arg2[%add3A_47, %dma_start3A_51] : memref<16384x128xf32, #tpu.memory_space<hbm>> -> memref<128x128xf32, #tpu.memory_space<hbm>>
    %dma_start3A_53 = arith.constant 0 : i32
    %dma_start3A_54 = arith.constant 0 : i32
    %dma_start3A_55 = tpu.memref_slice %arg8[%dma_start3A_53, %dma_start3A_54] : memref<512x128xf32, #tpu.memory_space<vmem>> -> memref<128x128xf32, #tpu.memory_space<vmem>>
    %dma_start3A_56 = arith.constant 0 : i32
    %dma_start3A_57 = tpu.memref_slice %arg2[%add3A_47, %dma_start3A_56] : memref<16384x128xf32, #tpu.memory_space<hbm>> -> memref<128x128xf32, #tpu.memory_space<hbm>>
    tpu.enqueue_dma source(%dma_start3A_57 : memref<128x128xf32, #tpu.memory_space<hbm>>) target(%dma_start3A_55 : memref<128x128xf32, #tpu.memory_space<vmem>>) target_semaphore(%arg12 : memref<!tpu.dma_semaphore, #tpu.memory_space<semaphore_mem>>)
    %add3A_58 = arith.constant 128 : i32
    %add3A_59 = arith.addi %mul3A_2, %add3A_58 : i32
    %dma_start3A_60 = arith.constant 128 : i32
    %dma_start3A_61 = arith.constant 0 : i32
    %dma_start3A_62 = tpu.memref_slice %arg8[%dma_start3A_60, %dma_start3A_61] : memref<512x128xf32, #tpu.memory_space<vmem>> -> memref<128x128xf32, #tpu.memory_space<vmem>>
    %dma_start3A_63 = arith.constant 0 : i32
    %dma_start3A_64 = tpu.memref_slice %arg2[%add3A_59, %dma_start3A_63] : memref<16384x128xf32, #tpu.memory_space<hbm>> -> memref<128x128xf32, #tpu.memory_space<hbm>>
    %dma_start3A_65 = arith.constant 128 : i32
    %dma_start3A_66 = arith.constant 0 : i32
    %dma_start3A_67 = tpu.memref_slice %arg8[%dma_start3A_65, %dma_start3A_66] : memref<512x128xf32, #tpu.memory_space<vmem>> -> memref<128x128xf32, #tpu.memory_space<vmem>>
    %dma_start3A_68 = arith.constant 0 : i32
    %dma_start3A_69 = tpu.memref_slice %arg2[%add3A_59, %dma_start3A_68] : memref<16384x128xf32, #tpu.memory_space<hbm>> -> memref<128x128xf32, #tpu.memory_space<hbm>>
    tpu.enqueue_dma source(%dma_start3A_69 : memref<128x128xf32, #tpu.memory_space<hbm>>) target(%dma_start3A_67 : memref<128x128xf32, #tpu.memory_space<vmem>>) target_semaphore(%arg12 : memref<!tpu.dma_semaphore, #tpu.memory_space<semaphore_mem>>)
    %add3A_70 = arith.constant 256 : i32
    %add3A_71 = arith.addi %mul3A_2, %add3A_70 : i32
    %dma_start3A_72 = arith.constant 256 : i32
    %dma_start3A_73 = arith.constant 0 : i32
    %dma_start3A_74 = tpu.memref_slice %arg8[%dma_start3A_72, %dma_start3A_73] : memref<512x128xf32, #tpu.memory_space<vmem>> -> memref<128x128xf32, #tpu.memory_space<vmem>>
    %dma_start3A_75 = arith.constant 0 : i32
    %dma_start3A_76 = tpu.memref_slice %arg2[%add3A_71, %dma_start3A_75] : memref<16384x128xf32, #tpu.memory_space<hbm>> -> memref<128x128xf32, #tpu.memory_space<hbm>>
    %dma_start3A_77 = arith.constant 256 : i32
    %dma_start3A_78 = arith.constant 0 : i32
    %dma_start3A_79 = tpu.memref_slice %arg8[%dma_start3A_77, %dma_start3A_78] : memref<512x128xf32, #tpu.memory_space<vmem>> -> memref<128x128xf32, #tpu.memory_space<vmem>>
    %dma_start3A_80 = arith.constant 0 : i32
    %dma_start3A_81 = tpu.memref_slice %arg2[%add3A_71, %dma_start3A_80] : memref<16384x128xf32, #tpu.memory_space<hbm>> -> memref<128x128xf32, #tpu.memory_space<hbm>>
    tpu.enqueue_dma source(%dma_start3A_81 : memref<128x128xf32, #tpu.memory_space<hbm>>) target(%dma_start3A_79 : memref<128x128xf32, #tpu.memory_space<vmem>>) target_semaphore(%arg12 : memref<!tpu.dma_semaphore, #tpu.memory_space<semaphore_mem>>)
    %add3A_82 = arith.constant 384 : i32
    %add3A_83 = arith.addi %mul3A_2, %add3A_82 : i32
    %dma_start3A_84 = arith.constant 384 : i32
    %dma_start3A_85 = arith.constant 0 : i32
    %dma_start3A_86 = tpu.memref_slice %arg8[%dma_start3A_84, %dma_start3A_85] : memref<512x128xf32, #tpu.memory_space<vmem>> -> memref<128x128xf32, #tpu.memory_space<vmem>>
    %dma_start3A_87 = arith.constant 0 : i32
    %dma_start3A_88 = tpu.memref_slice %arg2[%add3A_83, %dma_start3A_87] : memref<16384x128xf32, #tpu.memory_space<hbm>> -> memref<128x128xf32, #tpu.memory_space<hbm>>
    %dma_start3A_89 = arith.constant 384 : i32
    %dma_start3A_90 = arith.constant 0 : i32
    %dma_start3A_91 = tpu.memref_slice %arg8[%dma_start3A_89, %dma_start3A_90] : memref<512x128xf32, #tpu.memory_space<vmem>> -> memref<128x128xf32, #tpu.memory_space<vmem>>
    %dma_start3A_92 = arith.constant 0 : i32
    %dma_start3A_93 = tpu.memref_slice %arg2[%add3A_83, %dma_start3A_92] : memref<16384x128xf32, #tpu.memory_space<hbm>> -> memref<128x128xf32, #tpu.memory_space<hbm>>
    tpu.enqueue_dma source(%dma_start3A_93 : memref<128x128xf32, #tpu.memory_space<hbm>>) target(%dma_start3A_91 : memref<128x128xf32, #tpu.memory_space<vmem>>) target_semaphore(%arg12 : memref<!tpu.dma_semaphore, #tpu.memory_space<semaphore_mem>>)
    %dma_wait3A = arith.constant 0 : i32
    %dma_wait3A_94 = arith.constant 0 : i32
    %dma_wait3A_95 = tpu.memref_slice %arg6[%dma_wait3A, %dma_wait3A_94] : memref<4x128xi32, #tpu.memory_space<vmem>> -> memref<1x128xi32, #tpu.memory_space<vmem>>
    %dma_wait3A_96 = tpu.memref_squeeze %dma_wait3A_95 : memref<1x128xi32, #tpu.memory_space<vmem>> -> memref<128xi32, #tpu.memory_space<vmem>>
    %dma_wait3A_97 = tpu.memref_slice %arg3[%add3A_4] : memref<16384xi32, #tpu.memory_space<hbm>> -> memref<128xi32, #tpu.memory_space<hbm>>
    %dma_wait3A_98 = arith.constant 0 : i32
    %dma_wait3A_99 = tpu.memref_slice %arg6[%dma_wait3A, %dma_wait3A_98] : memref<4x128xi32, #tpu.memory_space<vmem>> -> memref<1x128xi32, #tpu.memory_space<vmem>>
    %dma_wait3A_100 = tpu.memref_squeeze %dma_wait3A_99 : memref<1x128xi32, #tpu.memory_space<vmem>> -> memref<128xi32, #tpu.memory_space<vmem>>
    %dma_wait3A_101 = tpu.memref_slice %arg3[%add3A_4] : memref<16384xi32, #tpu.memory_space<hbm>> -> memref<128xi32, #tpu.memory_space<hbm>>
    tpu.wait_dma2 semaphore(%arg10 : memref<!tpu.dma_semaphore, #tpu.memory_space<semaphore_mem>>) src(%dma_wait3A_101 : memref<128xi32, #tpu.memory_space<hbm>>) dst(%dma_wait3A_100 : memref<128xi32, #tpu.memory_space<vmem>>)
    %dma_wait3A_102 = arith.constant 1 : i32
    %dma_wait3A_103 = arith.constant 0 : i32
    %dma_wait3A_104 = tpu.memref_slice %arg6[%dma_wait3A_102, %dma_wait3A_103] : memref<4x128xi32, #tpu.memory_space<vmem>> -> memref<1x128xi32, #tpu.memory_space<vmem>>
    %dma_wait3A_105 = tpu.memref_squeeze %dma_wait3A_104 : memref<1x128xi32, #tpu.memory_space<vmem>> -> memref<128xi32, #tpu.memory_space<vmem>>
    %dma_wait3A_106 = tpu.memref_slice %arg3[%add3A_14] : memref<16384xi32, #tpu.memory_space<hbm>> -> memref<128xi32, #tpu.memory_space<hbm>>
    %dma_wait3A_107 = arith.constant 0 : i32
    %dma_wait3A_108 = tpu.memref_slice %arg6[%dma_wait3A_102, %dma_wait3A_107] : memref<4x128xi32, #tpu.memory_space<vmem>> -> memref<1x128xi32, #tpu.memory_space<vmem>>
    %dma_wait3A_109 = tpu.memref_squeeze %dma_wait3A_108 : memref<1x128xi32, #tpu.memory_space<vmem>> -> memref<128xi32, #tpu.memory_space<vmem>>
    %dma_wait3A_110 = tpu.memref_slice %arg3[%add3A_14] : memref<16384xi32, #tpu.memory_space<hbm>> -> memref<128xi32, #tpu.memory_space<hbm>>
    tpu.wait_dma2 semaphore(%arg10 : memref<!tpu.dma_semaphore, #tpu.memory_space<semaphore_mem>>) src(%dma_wait3A_110 : memref<128xi32, #tpu.memory_space<hbm>>) dst(%dma_wait3A_109 : memref<128xi32, #tpu.memory_space<vmem>>)
    %dma_wait3A_111 = arith.constant 2 : i32
    %dma_wait3A_112 = arith.constant 0 : i32
    %dma_wait3A_113 = tpu.memref_slice %arg6[%dma_wait3A_111, %dma_wait3A_112] : memref<4x128xi32, #tpu.memory_space<vmem>> -> memref<1x128xi32, #tpu.memory_space<vmem>>
    %dma_wait3A_114 = tpu.memref_squeeze %dma_wait3A_113 : memref<1x128xi32, #tpu.memory_space<vmem>> -> memref<128xi32, #tpu.memory_space<vmem>>
    %dma_wait3A_115 = tpu.memref_slice %arg3[%add3A_25] : memref<16384xi32, #tpu.memory_space<hbm>> -> memref<128xi32, #tpu.memory_space<hbm>>
    %dma_wait3A_116 = arith.constant 0 : i32
    %dma_wait3A_117 = tpu.memref_slice %arg6[%dma_wait3A_111, %dma_wait3A_116] : memref<4x128xi32, #tpu.memory_space<vmem>> -> memref<1x128xi32, #tpu.memory_space<vmem>>
    %dma_wait3A_118 = tpu.memref_squeeze %dma_wait3A_117 : memref<1x128xi32, #tpu.memory_space<vmem>> -> memref<128xi32, #tpu.memory_space<vmem>>
    %dma_wait3A_119 = tpu.memref_slice %arg3[%add3A_25] : memref<16384xi32, #tpu.memory_space<hbm>> -> memref<128xi32, #tpu.memory_space<hbm>>
    tpu.wait_dma2 semaphore(%arg10 : memref<!tpu.dma_semaphore, #tpu.memory_space<semaphore_mem>>) src(%dma_wait3A_119 : memref<128xi32, #tpu.memory_space<hbm>>) dst(%dma_wait3A_118 : memref<128xi32, #tpu.memory_space<vmem>>)
    %dma_wait3A_120 = arith.constant 3 : i32
    %dma_wait3A_121 = arith.constant 0 : i32
    %dma_wait3A_122 = tpu.memref_slice %arg6[%dma_wait3A_120, %dma_wait3A_121] : memref<4x128xi32, #tpu.memory_space<vmem>> -> memref<1x128xi32, #tpu.memory_space<vmem>>
    %dma_wait3A_123 = tpu.memref_squeeze %dma_wait3A_122 : memref<1x128xi32, #tpu.memory_space<vmem>> -> memref<128xi32, #tpu.memory_space<vmem>>
    %dma_wait3A_124 = tpu.memref_slice %arg3[%add3A_36] : memref<16384xi32, #tpu.memory_space<hbm>> -> memref<128xi32, #tpu.memory_space<hbm>>
    %dma_wait3A_125 = arith.constant 0 : i32
    %dma_wait3A_126 = tpu.memref_slice %arg6[%dma_wait3A_120, %dma_wait3A_125] : memref<4x128xi32, #tpu.memory_space<vmem>> -> memref<1x128xi32, #tpu.memory_space<vmem>>
    %dma_wait3A_127 = tpu.memref_squeeze %dma_wait3A_126 : memref<1x128xi32, #tpu.memory_space<vmem>> -> memref<128xi32, #tpu.memory_space<vmem>>
    %dma_wait3A_128 = tpu.memref_slice %arg3[%add3A_36] : memref<16384xi32, #tpu.memory_space<hbm>> -> memref<128xi32, #tpu.memory_space<hbm>>
    tpu.wait_dma2 semaphore(%arg10 : memref<!tpu.dma_semaphore, #tpu.memory_space<semaphore_mem>>) src(%dma_wait3A_128 : memref<128xi32, #tpu.memory_space<hbm>>) dst(%dma_wait3A_127 : memref<128xi32, #tpu.memory_space<vmem>>)
    %dma_start3A_129 = arith.constant 0 : i32
    %dma_start3A_130 = arith.constant 0 : i32
    %dma_start3A_131 = arith.constant 0 : i32
    %dma_start3A_132 = arith.constant 0 : i32
    %dma_start3A_133 = tpu.memref_slice %arg7[%dma_start3A_130, %dma_start3A_131, %dma_start3A_132] : memref<2x128x128xf32, #tpu.memory_space<vmem>> -> memref<1x128x128xf32, #tpu.memory_space<vmem>>
    %dma_start3A_134 = tpu.memref_squeeze %dma_start3A_133 : memref<1x128x128xf32, #tpu.memory_space<vmem>> -> memref<128x128xf32, #tpu.memory_space<vmem>>
    %dma_start3A_135 = arith.constant 0 : i32
    %dma_start3A_136 = tpu.memref_slice %arg6[%dma_start3A_129, %dma_start3A_135] : memref<4x128xi32, #tpu.memory_space<vmem>> -> memref<1x128xi32, #tpu.memory_space<vmem>>
    %dma_start3A_137 = tpu.memref_squeeze %dma_start3A_136 : memref<1x128xi32, #tpu.memory_space<vmem>> -> memref<128xi32, #tpu.memory_space<vmem>>
    %dma_start3A_138 = arith.constant 0 : i32
    %dma_start3A_139 = arith.constant 0 : i32
    %dma_start3A_140 = tpu.memref_slice %arg4[%dma_start3A_138, %dma_start3A_139] : memref<100000x128xf32, #tpu.memory_space<hbm>> -> memref<100000x128xf32, #tpu.memory_space<hbm>>
    tpu.enqueue_indirect_dma source(%dma_start3A_140 : memref<100000x128xf32, #tpu.memory_space<hbm>>) target(%dma_start3A_134 : memref<128x128xf32, #tpu.memory_space<vmem>>) offsets(%dma_start3A_137 : memref<128xi32, #tpu.memory_space<vmem>>) semaphore(%arg11 : memref<!tpu.dma_semaphore, #tpu.memory_space<semaphore_mem>>)
    %iota3A = tpu.iota {dimensions = array<i32: 0>} : vector<16xi32>
    %eq3A = arith.constant 15 : i32
    %eq3A_141 = vector.broadcast %eq3A : i32 to vector<16xi32>
    %eq3A_142 = arith.cmpi eq, %iota3A, %eq3A_141 : vector<16xi32>
    %broadcast_in_dim3A = arith.constant 0.000000e+00 : f32
    %broadcast_in_dim3A_143 = vector.broadcast %broadcast_in_dim3A : f32 to vector<16xf32>
    %scan3A = arith.constant 0 : i32
    %scan3A_144 = arith.constant 4 : i32
    %scan3A_145 = arith.addi %scan3A, %scan3A_144 : i32
    %scan3A_146 = arith.constant 1 : i32
    %scan3A_147 = scf.for %scan3A_150 = %scan3A to %scan3A_145 step %scan3A_146 iter_args(%scan3A_151 = %broadcast_in_dim3A_143) -> (vector<16xf32>)  : i32 {
      %rem3A = arith.constant 2 : i32
      %rem3A_152 = arith.remsi %scan3A_150, %rem3A : i32
      %dma_wait3A_153 = arith.constant 0 : i32
      %dma_wait3A_154 = arith.constant 0 : i32
      %dma_wait3A_155 = tpu.memref_slice %arg7[%rem3A_152, %dma_wait3A_153, %dma_wait3A_154] : memref<2x128x128xf32, #tpu.memory_space<vmem>> -> memref<1x128x128xf32, #tpu.memory_space<vmem>>
      %dma_wait3A_156 = tpu.memref_squeeze %dma_wait3A_155 : memref<1x128x128xf32, #tpu.memory_space<vmem>> -> memref<128x128xf32, #tpu.memory_space<vmem>>
      %dma_wait3A_157 = arith.constant 0 : i32
      %dma_wait3A_158 = tpu.memref_slice %arg6[%scan3A_150, %dma_wait3A_157] : memref<4x128xi32, #tpu.memory_space<vmem>> -> memref<1x128xi32, #tpu.memory_space<vmem>>
      %dma_wait3A_159 = tpu.memref_squeeze %dma_wait3A_158 : memref<1x128xi32, #tpu.memory_space<vmem>> -> memref<128xi32, #tpu.memory_space<vmem>>
      %dma_wait3A_160 = arith.constant 0 : i32
      %dma_wait3A_161 = arith.constant 0 : i32
      %dma_wait3A_162 = tpu.memref_slice %arg4[%dma_wait3A_160, %dma_wait3A_161] : memref<100000x128xf32, #tpu.memory_space<hbm>> -> memref<100000x128xf32, #tpu.memory_space<hbm>>
      tpu.wait_indirect_dma semaphore(%arg11 : memref<!tpu.dma_semaphore, #tpu.memory_space<semaphore_mem>>) src(%dma_wait3A_162 : memref<100000x128xf32, #tpu.memory_space<hbm>>) dst(%dma_wait3A_156 : memref<128x128xf32, #tpu.memory_space<vmem>>)
      %mul3A_163 = arith.constant 128 : i32
      %mul3A_164 = arith.muli %scan3A_150, %mul3A_163 : i32
      %add3A_165 = arith.addi %mul3A_2, %mul3A_164 : i32
      %mul3A_166 = arith.constant 128 : i32
      %mul3A_167 = arith.muli %scan3A_150, %mul3A_166 : i32
      %dma_wait3A_168 = arith.constant 0 : i32
      %dma_wait3A_169 = tpu.memref_slice %arg8[%mul3A_167, %dma_wait3A_168] : memref<512x128xf32, #tpu.memory_space<vmem>> -> memref<128x128xf32, #tpu.memory_space<vmem>>
      %dma_wait3A_170 = arith.constant 0 : i32
      %dma_wait3A_171 = tpu.memref_slice %arg2[%add3A_165, %dma_wait3A_170] : memref<16384x128xf32, #tpu.memory_space<hbm>> -> memref<128x128xf32, #tpu.memory_space<hbm>>
      %dma_wait3A_172 = arith.constant 0 : i32
      %dma_wait3A_173 = tpu.memref_slice %arg8[%mul3A_167, %dma_wait3A_172] : memref<512x128xf32, #tpu.memory_space<vmem>> -> memref<128x128xf32, #tpu.memory_space<vmem>>
      %dma_wait3A_174 = arith.constant 0 : i32
      %dma_wait3A_175 = tpu.memref_slice %arg2[%add3A_165, %dma_wait3A_174] : memref<16384x128xf32, #tpu.memory_space<hbm>> -> memref<128x128xf32, #tpu.memory_space<hbm>>
      tpu.wait_dma2 semaphore(%arg12 : memref<!tpu.dma_semaphore, #tpu.memory_space<semaphore_mem>>) src(%dma_wait3A_175 : memref<128x128xf32, #tpu.memory_space<hbm>>) dst(%dma_wait3A_173 : memref<128x128xf32, #tpu.memory_space<vmem>>)
      %lt3A = arith.constant 3 : i32
      %lt3A_176 = arith.cmpi slt, %scan3A_150, %lt3A : i32
      %convert_element_type3A = arith.extui %lt3A_176 : i1 to i32
      %cond3A = arith.constant 0 : i32
      %cond3A_177 = arith.cmpi ne, %convert_element_type3A, %cond3A : i32
      scf.if %cond3A_177 {
        %add3A_183 = arith.constant 1 : i32
        %add3A_184 = arith.addi %scan3A_150, %add3A_183 : i32
        %sub3A = arith.constant 1 : i32
        %sub3A_185 = arith.subi %sub3A, %rem3A_152 : i32
        %dma_start3A_186 = arith.constant 0 : i32
        %dma_start3A_187 = arith.constant 0 : i32
        %dma_start3A_188 = tpu.memref_slice %arg7[%sub3A_185, %dma_start3A_186, %dma_start3A_187] : memref<2x128x128xf32, #tpu.memory_space<vmem>> -> memref<1x128x128xf32, #tpu.memory_space<vmem>>
        %dma_start3A_189 = tpu.memref_squeeze %dma_start3A_188 : memref<1x128x128xf32, #tpu.memory_space<vmem>> -> memref<128x128xf32, #tpu.memory_space<vmem>>
        %dma_start3A_190 = arith.constant 0 : i32
        %dma_start3A_191 = tpu.memref_slice %arg6[%add3A_184, %dma_start3A_190] : memref<4x128xi32, #tpu.memory_space<vmem>> -> memref<1x128xi32, #tpu.memory_space<vmem>>
        %dma_start3A_192 = tpu.memref_squeeze %dma_start3A_191 : memref<1x128xi32, #tpu.memory_space<vmem>> -> memref<128xi32, #tpu.memory_space<vmem>>
        %dma_start3A_193 = arith.constant 0 : i32
        %dma_start3A_194 = arith.constant 0 : i32
        %dma_start3A_195 = tpu.memref_slice %arg4[%dma_start3A_193, %dma_start3A_194] : memref<100000x128xf32, #tpu.memory_space<hbm>> -> memref<100000x128xf32, #tpu.memory_space<hbm>>
        tpu.enqueue_indirect_dma source(%dma_start3A_195 : memref<100000x128xf32, #tpu.memory_space<hbm>>) target(%dma_start3A_189 : memref<128x128xf32, #tpu.memory_space<vmem>>) offsets(%dma_start3A_192 : memref<128xi32, #tpu.memory_space<vmem>>) semaphore(%arg11 : memref<!tpu.dma_semaphore, #tpu.memory_space<semaphore_mem>>)
      } else {
      }
      %mul3A_178 = arith.constant 128 : i32
      %mul3A_179 = arith.muli %scan3A_150, %mul3A_178 : i32
      %parallel_loop3A = arith.constant 0 : i32
      %parallel_loop3A_180 = arith.constant 128 : i32
      %parallel_loop3A_181 = arith.constant 1 : i32
      %parallel_loop3A_182 = scf.for %parallel_loop3A_183 = %parallel_loop3A to %parallel_loop3A_180 step %parallel_loop3A_181 iter_args(%parallel_loop3A_184 = %scan3A_151) -> (vector<16xf32>)  : i32 {
        %parallel_loop3A_185 = arith.addi %mul3A_179, %parallel_loop3A_183 : i32
        %parallel_loop3A_186 = arith.index_cast %parallel_loop3A_185 : i32 to index
        %parallel_loop3A_187 = arith.constant 0 : index
        %parallel_loop3A_188 = tpu.vector_load %arg8[%parallel_loop3A_186, %parallel_loop3A_187] {strides = array<i32>} : memref<512x128xf32, #tpu.memory_space<vmem>>, vector<16xf32>,
        %parallel_loop3A_189 = arith.index_cast %rem3A_152 : i32 to index
        %parallel_loop3A_190 = arith.index_cast %parallel_loop3A_183 : i32 to index
        %parallel_loop3A_191 = arith.constant 0 : index
        %parallel_loop3A_192 = tpu.vector_load %arg7[%parallel_loop3A_189, %parallel_loop3A_190, %parallel_loop3A_191] {strides = array<i32>} : memref<2x128x128xf32, #tpu.memory_space<vmem>>, vector<16xf32>,
        %parallel_loop3A_193 = arith.subf %parallel_loop3A_188, %parallel_loop3A_192 : vector<16xf32>
        %parallel_loop3A_194 = arith.mulf %parallel_loop3A_193, %parallel_loop3A_193 : vector<16xf32>
        %parallel_loop3A_195 = arith.addi %mul3A_179, %parallel_loop3A_183 : i32
        %parallel_loop3A_196 = arith.index_cast %parallel_loop3A_195 : i32 to index
        %parallel_loop3A_197 = arith.constant 16 : index
        %parallel_loop3A_198 = tpu.vector_load %arg8[%parallel_loop3A_196, %parallel_loop3A_197] {strides = array<i32>} : memref<512x128xf32, #tpu.memory_space<vmem>>, vector<16xf32>,
        %parallel_loop3A_199 = arith.index_cast %rem3A_152 : i32 to index
        %parallel_loop3A_200 = arith.index_cast %parallel_loop3A_183 : i32 to index
        %parallel_loop3A_201 = arith.constant 16 : index
        %parallel_loop3A_202 = tpu.vector_load %arg7[%parallel_loop3A_199, %parallel_loop3A_200, %parallel_loop3A_201] {strides = array<i32>} : memref<2x128x128xf32, #tpu.memory_space<vmem>>, vector<16xf32>,
        %parallel_loop3A_203 = arith.subf %parallel_loop3A_198, %parallel_loop3A_202 : vector<16xf32>
        %parallel_loop3A_204 = arith.mulf %parallel_loop3A_203, %parallel_loop3A_203 : vector<16xf32>
        %parallel_loop3A_205 = arith.addi %mul3A_179, %parallel_loop3A_183 : i32
        %parallel_loop3A_206 = arith.index_cast %parallel_loop3A_205 : i32 to index
        %parallel_loop3A_207 = arith.constant 32 : index
        %parallel_loop3A_208 = tpu.vector_load %arg8[%parallel_loop3A_206, %parallel_loop3A_207] {strides = array<i32>} : memref<512x128xf32, #tpu.memory_space<vmem>>, vector<16xf32>,
        %parallel_loop3A_209 = arith.index_cast %rem3A_152 : i32 to index
        %parallel_loop3A_210 = arith.index_cast %parallel_loop3A_183 : i32 to index
        %parallel_loop3A_211 = arith.constant 32 : index
        %parallel_loop3A_212 = tpu.vector_load %arg7[%parallel_loop3A_209, %parallel_loop3A_210, %parallel_loop3A_211] {strides = array<i32>} : memref<2x128x128xf32, #tpu.memory_space<vmem>>, vector<16xf32>,
        %parallel_loop3A_213 = arith.subf %parallel_loop3A_208, %parallel_loop3A_212 : vector<16xf32>
        %parallel_loop3A_214 = arith.mulf %parallel_loop3A_213, %parallel_loop3A_213 : vector<16xf32>
        %parallel_loop3A_215 = arith.addi %mul3A_179, %parallel_loop3A_183 : i32
        %parallel_loop3A_216 = arith.index_cast %parallel_loop3A_215 : i32 to index
        %parallel_loop3A_217 = arith.constant 48 : index
        %parallel_loop3A_218 = tpu.vector_load %arg8[%parallel_loop3A_216, %parallel_loop3A_217] {strides = array<i32>} : memref<512x128xf32, #tpu.memory_space<vmem>>, vector<16xf32>,
        %parallel_loop3A_219 = arith.index_cast %rem3A_152 : i32 to index
        %parallel_loop3A_220 = arith.index_cast %parallel_loop3A_183 : i32 to index
        %parallel_loop3A_221 = arith.constant 48 : index
        %parallel_loop3A_222 = tpu.vector_load %arg7[%parallel_loop3A_219, %parallel_loop3A_220, %parallel_loop3A_221] {strides = array<i32>} : memref<2x128x128xf32, #tpu.memory_space<vmem>>, vector<16xf32>,
        %parallel_loop3A_223 = arith.subf %parallel_loop3A_218, %parallel_loop3A_222 : vector<16xf32>
        %parallel_loop3A_224 = arith.mulf %parallel_loop3A_223, %parallel_loop3A_223 : vector<16xf32>
        %parallel_loop3A_225 = arith.addi %mul3A_179, %parallel_loop3A_183 : i32
        %parallel_loop3A_226 = arith.index_cast %parallel_loop3A_225 : i32 to index
        %parallel_loop3A_227 = arith.constant 64 : index
        %parallel_loop3A_228 = tpu.vector_load %arg8[%parallel_loop3A_226, %parallel_loop3A_227] {strides = array<i32>} : memref<512x128xf32, #tpu.memory_space<vmem>>, vector<16xf32>,
        %parallel_loop3A_229 = arith.index_cast %rem3A_152 : i32 to index
        %parallel_loop3A_230 = arith.index_cast %parallel_loop3A_183 : i32 to index
        %parallel_loop3A_231 = arith.constant 64 : index
        %parallel_loop3A_232 = tpu.vector_load %arg7[%parallel_loop3A_229, %parallel_loop3A_230, %parallel_loop3A_231] {strides = array<i32>} : memref<2x128x128xf32, #tpu.memory_space<vmem>>, vector<16xf32>,
        %parallel_loop3A_233 = arith.subf %parallel_loop3A_228, %parallel_loop3A_232 : vector<16xf32>
        %parallel_loop3A_234 = arith.mulf %parallel_loop3A_233, %parallel_loop3A_233 : vector<16xf32>
        %parallel_loop3A_235 = arith.addi %mul3A_179, %parallel_loop3A_183 : i32
        %parallel_loop3A_236 = arith.index_cast %parallel_loop3A_235 : i32 to index
        %parallel_loop3A_237 = arith.constant 80 : index
        %parallel_loop3A_238 = tpu.vector_load %arg8[%parallel_loop3A_236, %parallel_loop3A_237] {strides = array<i32>} : memref<512x128xf32, #tpu.memory_space<vmem>>, vector<16xf32>,
        %parallel_loop3A_239 = arith.index_cast %rem3A_152 : i32 to index
        %parallel_loop3A_240 = arith.index_cast %parallel_loop3A_183 : i32 to index
        %parallel_loop3A_241 = arith.constant 80 : index
        %parallel_loop3A_242 = tpu.vector_load %arg7[%parallel_loop3A_239, %parallel_loop3A_240, %parallel_loop3A_241] {strides = array<i32>} : memref<2x128x128xf32, #tpu.memory_space<vmem>>, vector<16xf32>,
        %parallel_loop3A_243 = arith.subf %parallel_loop3A_238, %parallel_loop3A_242 : vector<16xf32>
        %parallel_loop3A_244 = arith.mulf %parallel_loop3A_243, %parallel_loop3A_243 : vector<16xf32>
        %parallel_loop3A_245 = arith.addi %mul3A_179, %parallel_loop3A_183 : i32
        %parallel_loop3A_246 = arith.index_cast %parallel_loop3A_245 : i32 to index
        %parallel_loop3A_247 = arith.constant 96 : index
        %parallel_loop3A_248 = tpu.vector_load %arg8[%parallel_loop3A_246, %parallel_loop3A_247] {strides = array<i32>} : memref<512x128xf32, #tpu.memory_space<vmem>>, vector<16xf32>,
        %parallel_loop3A_249 = arith.index_cast %rem3A_152 : i32 to index
        %parallel_loop3A_250 = arith.index_cast %parallel_loop3A_183 : i32 to index
        %parallel_loop3A_251 = arith.constant 96 : index
        %parallel_loop3A_252 = tpu.vector_load %arg7[%parallel_loop3A_249, %parallel_loop3A_250, %parallel_loop3A_251] {strides = array<i32>} : memref<2x128x128xf32, #tpu.memory_space<vmem>>, vector<16xf32>,
        %parallel_loop3A_253 = arith.subf %parallel_loop3A_248, %parallel_loop3A_252 : vector<16xf32>
        %parallel_loop3A_254 = arith.mulf %parallel_loop3A_253, %parallel_loop3A_253 : vector<16xf32>
        %parallel_loop3A_255 = arith.addi %mul3A_179, %parallel_loop3A_183 : i32
        %parallel_loop3A_256 = arith.index_cast %parallel_loop3A_255 : i32 to index
        %parallel_loop3A_257 = arith.constant 112 : index
        %parallel_loop3A_258 = tpu.vector_load %arg8[%parallel_loop3A_256, %parallel_loop3A_257] {strides = array<i32>} : memref<512x128xf32, #tpu.memory_space<vmem>>, vector<16xf32>,
        %parallel_loop3A_259 = arith.index_cast %rem3A_152 : i32 to index
        %parallel_loop3A_260 = arith.index_cast %parallel_loop3A_183 : i32 to index
        %parallel_loop3A_261 = arith.constant 112 : index
        %parallel_loop3A_262 = tpu.vector_load %arg7[%parallel_loop3A_259, %parallel_loop3A_260, %parallel_loop3A_261] {strides = array<i32>} : memref<2x128x128xf32, #tpu.memory_space<vmem>>, vector<16xf32>,
        %parallel_loop3A_263 = arith.subf %parallel_loop3A_258, %parallel_loop3A_262 : vector<16xf32>
        %parallel_loop3A_264 = arith.mulf %parallel_loop3A_263, %parallel_loop3A_263 : vector<16xf32>
        %parallel_loop3A_265 = arith.addf %parallel_loop3A_194, %parallel_loop3A_204 : vector<16xf32>
        %parallel_loop3A_266 = arith.addf %parallel_loop3A_214, %parallel_loop3A_224 : vector<16xf32>
        %parallel_loop3A_267 = arith.addf %parallel_loop3A_234, %parallel_loop3A_244 : vector<16xf32>
        %parallel_loop3A_268 = arith.addf %parallel_loop3A_254, %parallel_loop3A_264 : vector<16xf32>
        %parallel_loop3A_269 = arith.addf %parallel_loop3A_265, %parallel_loop3A_266 : vector<16xf32>
        %parallel_loop3A_270 = arith.addf %parallel_loop3A_267, %parallel_loop3A_268 : vector<16xf32>
        %parallel_loop3A_271 = arith.addf %parallel_loop3A_269, %parallel_loop3A_270 : vector<16xf32>
        %parallel_loop3A_272 = arith.constant true
        %parallel_loop3A_273 = vector.broadcast %parallel_loop3A_272 : i1 to vector<16xi1>
        %parallel_loop3A_274 = tpu.scan <sum>, %parallel_loop3A_271 masked %parallel_loop3A_273 : vector<16xf32>, vector<16xi1> -> vector<16xf32>
        %parallel_loop3A_275 = arith.constant 9.99999996E-13 : f32
        %parallel_loop3A_276 = vector.broadcast %parallel_loop3A_275 : f32 to vector<16xf32>
        %parallel_loop3A_277 = arith.maximumf %parallel_loop3A_274, %parallel_loop3A_276 : vector<16xf32>
        %parallel_loop3A_278 = arith.constant 9.99999995E+11 : f32
        %parallel_loop3A_279 = vector.broadcast %parallel_loop3A_278 : f32 to vector<16xf32>
        %parallel_loop3A_280 = arith.minimumf %parallel_loop3A_277, %parallel_loop3A_279 : vector<16xf32>
        %parallel_loop3A_281 = arith.select %eq3A_142, %parallel_loop3A_280, %broadcast_in_dim3A_143 : vector<16xi1>, vector<16xf32>
        %parallel_loop3A_282 = arith.addf %parallel_loop3A_184, %parallel_loop3A_281 : vector<16xf32>
        scf.yield %parallel_loop3A_282 : vector<16xf32>
      } {sc.loop_unroll_factor = 4 : i64, sc.parallel_access}
      scf.yield %parallel_loop3A_182 : vector<16xf32>
    }
    %scan3A_148 = arith.constant 4 : i32
    %swap3A = arith.constant 0 : index
    %swap3A_149 = tpu.vector_load %arg9[%swap3A] {strides = array<i32>} : memref<16xf32, #tpu.memory_space<vmem>>, vector<16xf32>,
    tpu.vector_store %arg9[%swap3A], %scan3A_147 {strides = array<i32>} : memref<16xf32, #tpu.memory_space<vmem>>, vector<16xf32>,
    "tpu.region"() ({
      %run_scoped3A = tpu.sem_alloc : memref<!tpu.dma_semaphore, #tpu.memory_space<semaphore_mem>>
      %dma_start3A_150 = arith.constant 0 : i32
      %dma_start3A_151 = tpu.memref_slice %arg5[%add3A, %dma_start3A_150] : memref<32x16xf32, #tpu.memory_space<hbm>> -> memref<1x16xf32, #tpu.memory_space<hbm>>
      %dma_start3A_152 = tpu.memref_squeeze %dma_start3A_151 : memref<1x16xf32, #tpu.memory_space<hbm>> -> memref<16xf32, #tpu.memory_space<hbm>>
      %dma_start3A_153 = arith.constant 0 : i32
      %dma_start3A_154 = tpu.memref_slice %arg5[%add3A, %dma_start3A_153] : memref<32x16xf32, #tpu.memory_space<hbm>> -> memref<1x16xf32, #tpu.memory_space<hbm>>
      %dma_start3A_155 = tpu.memref_squeeze %dma_start3A_154 : memref<1x16xf32, #tpu.memory_space<hbm>> -> memref<16xf32, #tpu.memory_space<hbm>>
      tpu.enqueue_dma source(%arg9 : memref<16xf32, #tpu.memory_space<vmem>>) target(%dma_start3A_155 : memref<16xf32, #tpu.memory_space<hbm>>) target_semaphore(%run_scoped3A : memref<!tpu.dma_semaphore, #tpu.memory_space<semaphore_mem>>)
      %dma_wait3A_156 = arith.constant 0 : i32
      %dma_wait3A_157 = tpu.memref_slice %arg5[%add3A, %dma_wait3A_156] : memref<32x16xf32, #tpu.memory_space<hbm>> -> memref<1x16xf32, #tpu.memory_space<hbm>>
      %dma_wait3A_158 = tpu.memref_squeeze %dma_wait3A_157 : memref<1x16xf32, #tpu.memory_space<hbm>> -> memref<16xf32, #tpu.memory_space<hbm>>
      %dma_wait3A_159 = arith.constant 0 : i32
      %dma_wait3A_160 = tpu.memref_slice %arg5[%add3A, %dma_wait3A_159] : memref<32x16xf32, #tpu.memory_space<hbm>> -> memref<1x16xf32, #tpu.memory_space<hbm>>
      %dma_wait3A_161 = tpu.memref_squeeze %dma_wait3A_160 : memref<1x16xf32, #tpu.memory_space<hbm>> -> memref<16xf32, #tpu.memory_space<hbm>>
      tpu.wait_dma2 semaphore(%run_scoped3A : memref<!tpu.dma_semaphore, #tpu.memory_space<semaphore_mem>>) src(%arg9 : memref<16xf32, #tpu.memory_space<vmem>>) dst(%dma_wait3A_161 : memref<16xf32, #tpu.memory_space<hbm>>)
      tpu.yield
    }) : () -> ()
    return
  }
}

module attributes {stable_mosaic.version = 14 : i64} {
  func.func @_tc_finish(%arg0: memref<32x16xf32, #tpu.memory_space<vmem>>, %arg1: memref<1x1xf32, #tpu.memory_space<vmem>>) attributes {dimension_semantics = [], scalar_prefetch = 0 : i64, scratch_operands = 0 : i64, tpu.core_type = #tpu.core_type<tc>} {
    %get3A = arith.constant 0 : index
    %get3A_0 = arith.constant 0 : index
    %get3A_1 = vector.load %arg0[%get3A, %get3A_0] : memref<32x16xf32, #tpu.memory_space<vmem>>, vector<32x16xf32>
    %reduce_sum3A = vector.shape_cast %get3A_1 : vector<32x16xf32> to vector<1x32x16xf32>
    %reduce_sum3A_2 = arith.constant dense<0.000000e+00> : vector<1xf32>
    %reduce_sum3A_3 = vector.multi_reduction <add>, %reduce_sum3A, %reduce_sum3A_2 [1, 2] : vector<1x32x16xf32> to vector<1xf32>
    %reduce_sum3A_4 = vector.shape_cast %reduce_sum3A_3 : vector<1xf32> to vector<1x1x1xf32>
    %reduce_sum3A_5 = vector.extract %reduce_sum3A_4[0, 0, 0] : f32 from vector<1x1x1xf32>
    %broadcast_in_dim3A = vector.broadcast %reduce_sum3A_5 : f32 to vector<1x1xf32>
    %mul3A = arith.constant 6.10351563E-5 : f32
    %mul3A_6 = vector.broadcast %mul3A : f32 to vector<1x1xf32>
    %mul3A_7 = arith.mulf %broadcast_in_dim3A, %mul3A_6 : vector<1x1xf32>
    %swap3A = arith.constant 0 : index
    %swap3A_8 = arith.constant 0 : index
    %swap3A_9 = vector.load %arg1[%swap3A, %swap3A_8] : memref<1x1xf32, #tpu.memory_space<vmem>>, vector<1x1xf32>
    tpu.vector_store %arg1[%swap3A, %swap3A_8], %mul3A_7 {strides = array<i32>} : memref<1x1xf32, #tpu.memory_space<vmem>>, vector<1x1xf32>,
    return
  }
}

</mosaic_0001>

<sc_bundles>
// kernel: kernel.4.cloned.1.call-start
scs
__scs_entry_jumppad:
0x0: {  	(pc) =	sbr.rel $0x88, $3  }
0x1: {  	(tag) =	ssettag $0x0;
	lr =	simm.s32 $0x1  }
0x2: {  	[smem:$0x3F9E] =	sst lr;
	_ =	strace $0xD0000000  }
0x3: {  	_ = 	snop  }
0x4: {  	_ = 	snop  }
0x5: {  	_ = 	snop  }
0x6: {  	_ = 	snop  }
0x7: {  	_ = 	snop  }
__scs_overlays_trampoline_lowered:
0x8: {  	[smem:$0x3FAD] =	sst s0  }
0x9: {  	[smem:$0x3FAE] =	sst s1  }
0xa: {  	[smem:$0x3FAF] =	sst s2  }
0xb: {  	[smem:$0x3FB0] =	sst s3  }
0xc: {  	[smem:$0x3FB1] =	sst s4  }
0xd: {  	[smem:$0x3FB2] =	sst s5  }
0xe: {  	[smem:$0x3FB3] =	sst s6  }
0xf: {  	[smem:$0x3FB4] =	sst s7  }
0x10: {  	[smem:$0x3FB5] =	sst s8  }
0x11: {  	[smem:$0x3FB6] =	sst s9;
	s0 =	simm.s32 @!p0 $0x0  }
0x12: {  	s1 =	sld [smem:$0x3F9C];
	s0 =	simm.s32 @p0 $0x1  }
0x13: {  	[smem:$0x3FB7] =	sst s0;
	s0 =	simm.s32 @!p1 $0x0  }
0x14: {  	s2 =	sld [smem:$0x3F9B];
	s0 =	simm.s32 @p1 $0x1  }
0x15: {  	[smem:$0x3FB8] =	sst s0;
	s0 =	simm.s32 @!p2 $0x0  }
0x16: {  	s3 =	sld [smem:$0x3FDB];
	s0 =	simm.s32 @p2 $0x1  }
0x17: {  	s4 =	simm.s32 $0x1BF5;
	[smem:$0x3FBA] =	sst s0  }
0x18: {  	s0 =	sld [smem:$0x3F9D];
	_ =	swait.ge [sflag:s4], $0x0  }
0x19: {  	s7 =	sld [smem:$0x3F9E]  }
0x1a: {  	s8 =	sadd.s32 $0xFFFFE003, lr  }
0x1b: {  	s9 =	sadd.s32 $0xFFFFFEF7, lr;
	s5 =	simm.s32 $0xFFFFFFFF;
	p2 =	slt.u32 s8, $0xFFFFF086  }
0x1c: {  	p1 =	slt.u32 s9, $0xF7A;
	s5 =	simm.s32 @!p2 $0x0  }
0x1d: {  	s5 =	simm.s32 @p1 $0x1;
	p0 =	seq.s32 s7, s2  }
0x1e: {  	s7 =	smul.u32 @!p0 $0xF7A, s2;
	p2 =	seq.s32 @!p0 s5, $0x0  }
0x1f: {  	s9 =	smul.u32 $0xF7A, s1;
	s8 =	simm.s32 @!p0 $0x1BF5;
	p2 =	por !p2, p0  }
0x20: {  	[sflag:s8] =	ssyncset.s32 @!p0 $0xFFFFF086;
	s6 =	sadd.s32 @!p0 s3, s7;
	s7 =	simm.s32 @!p0 $0x108  }
0x21: {  	s3 =	sadd.s32 s3, s9;
	s6 =	sadd.s32 @!p0 $0x88, s6;
	s7 =	simm.s32 @p2 $0x1082  }
0x22: {  	[simem:s7], [sflag:s8] =	dma.local @!p0 [hbm:s6], $0xF7A  }
0x23: {  	s9 =	sor.u32 $0xD0000000, s2;
	s6 =	simm.s32 $0x108;
	_ =	swait.ge @!p0 [sflag:s8], $0x0  }
0x24: {  	s3 =	sadd.s32 $0x88, s3;
	s6 =	simm.s32 @!p1 $0x1082;
	[sflag:s4] =	ssyncset.s32 $0xFFFFF086  }
0x25: {  	[simem:s6], [sflag:s4] =	dma.local [hbm:s3], $0xF7A  }
0x26: {  	[smem:$0x3F9E] =	sst s1;
	(tag) =	ssettag s2;
	_ =	strace s9  }
0x27: {  	s1 =	sld [smem:$0x3FAE]  }
0x28: {  	s2 =	sld [smem:$0x3FAF]  }
0x29: {  	s4 =	sld [smem:$0x3FB1]  }
0x2a: {  	p0 =	seq.s32 s5, $0x0;
	s5 =	sld [smem:$0x3FB2]  }
0x2b: {  	s6 =	sld [smem:$0x3FB3]  }
0x2c: {  	s7 =	sld [smem:$0x3FB4]  }
0x2d: {  	s3 =	simm.s32 $0x108;
	s8 =	sld [smem:$0x3FB5]  }
0x2e: {  	s3 =	simm.s32 @!p0 $0x1082;
	s9 =	sld [smem:$0x3FB6]  }
0x2f: {  	lr =	sadd.s32 s0, s3;
	s0 =	sld [smem:$0x3FAD]  }
0x30: {  	s3 =	sld [smem:$0x3FB0]  }
0x31: {  	[smem:$0x3FB9] =	sst s10  }
0x32: {  	s10 =	sld [smem:$0x3FB7];
	_ =	sdelay $0x3  }
0x33: {  	p0 =	seq.s32 s10, $0x1;
	s10 =	sld [smem:$0x3FB9];
	_ =	sdelay $0x3  }
0x34: {  	[smem:$0x3FB9] =	sst s10  }
0x35: {  	s10 =	sld [smem:$0x3FB8];
	_ =	sdelay $0x3  }
0x36: {  	p1 =	seq.s32 s10, $0x1;
	s10 =	sld [smem:$0x3FB9];
	_ =	sdelay $0x3  }
0x37: {  	[smem:$0x3FB9] =	sst s10  }
0x38: {  	s10 =	sld [smem:$0x3FBA]  }
0x39: {  	_ = 	snop;
	(pc) =	sbr.ind lr, $3  }
0x3a: {  	_ = 	snop  }
0x3b: {  	_ = 	snop  }
0x3c: {  	p2 =	seq.s32 s10, $0x1;
	s10 =	sld [smem:$0x3FB9]  }
0x3d: {  	_ =	shalt  }
0x3e: {  	_ =	shalt  }
0x3f: {  	_ =	shalt  }
0x40: {  	_ =	shalt  }
0x41: {  	_ =	shalt  }
0x42: {  	_ =	shalt  }
0x43: {  	_ =	shalt  }
0x44: {  	_ =	shalt  }
0x45: {  	_ =	shalt  }
0x46: {  	_ =	shalt  }
0x47: {  	_ =	shalt  }
0x48: {  	_ =	shalt  }
0x49: {  	_ =	shalt  }
0x4a: {  	_ =	shalt  }
0x4b: {  	_ =	shalt  }
0x4c: {  	_ =	shalt  }
0x4d: {  	_ =	shalt  }
0x4e: {  	_ =	shalt  }
0x4f: {  	_ =	shalt  }
0x50: {  	_ =	shalt  }
0x51: {  	_ =	shalt  }
0x52: {  	_ =	shalt  }
0x53: {  	_ =	shalt  }
0x54: {  	_ =	shalt  }
0x55: {  	_ =	shalt  }
0x56: {  	_ =	shalt  }
0x57: {  	_ =	shalt  }
0x58: {  	_ =	shalt  }
0x59: {  	_ =	shalt  }
0x5a: {  	_ =	shalt  }
0x5b: {  	_ =	shalt  }
0x5c: {  	_ =	shalt  }
0x5d: {  	_ =	shalt  }
0x5e: {  	_ =	shalt  }
0x5f: {  	_ =	shalt  }
0x60: {  	_ =	shalt  }
0x61: {  	_ =	shalt  }
0x62: {  	_ =	shalt  }
0x63: {  	_ =	shalt  }
0x64: {  	_ =	shalt  }
0x65: {  	_ =	shalt  }
0x66: {  	_ =	shalt  }
0x67: {  	_ =	shalt  }
0x68: {  	_ =	shalt  }
0x69: {  	_ =	shalt  }
0x6a: {  	_ =	shalt  }
0x6b: {  	_ =	shalt  }
0x6c: {  	_ =	shalt  }
0x6d: {  	_ =	shalt  }
0x6e: {  	_ =	shalt  }
0x6f: {  	_ =	shalt  }
0x70: {  	_ =	shalt  }
0x71: {  	_ =	shalt  }
0x72: {  	_ =	shalt  }
0x73: {  	_ =	shalt  }
0x74: {  	_ =	shalt  }
0x75: {  	_ =	shalt  }
0x76: {  	_ =	shalt  }
0x77: {  	_ =	shalt  }
0x78: {  	_ =	shalt  }
0x79: {  	_ =	shalt  }
0x7a: {  	_ =	shalt  }
0x7b: {  	_ =	shalt  }
0x7c: {  	_ =	shalt  }
0x7d: {  	_ =	shalt  }
0x7e: {  	_ =	shalt  }
0x7f: {  	_ =	shalt  }
0x80: {  	_ =	shalt  }
0x81: {  	_ =	shalt  }
0x82: {  	_ =	shalt  }
0x83: {  	_ =	shalt  }
0x84: {  	_ =	shalt  }
0x85: {  	_ =	shalt  }
0x86: {  	_ =	shalt  }
0x87: {  	_ =	shalt  }
.Lfunc_end0:
.L_simem_size_0:
called_computation_lowered:
.L_overlay_start_0:
0x88: {  	s2 =	sld [smem:$0x3FD9]  }
0x89: {  	s3 =	sld [smem:$0x3FFE];
	_ =	sdelay $0x1  }
0x8a: {  	s1 =	srdreg.scid  }
0x8b: {  	s0 =	sand.u32 $0x1, s1  }
0x8c: {  	s17 =	sshll.u32 s0, $0xA;
	s2 =	sadd.s32 s3, s2  }
0x8d: {  	s2 =	sadd.s32 s2, s17  }
0x8e: {  	[smem:$0x3FC5] =	sst s2  }
0x8f: {  	_ = 	snop  }
0x90: {  	s2 =	sld [smem:$0x3FC9]  }
0x91: {  	s18 =	sld [smem:$0x3FC8]  }
0x92: {  	s4 =	sld [smem:$0x3FC7];
	(tm) =	ssettm $0x1  }
0x93: {  	s5 =	sld [smem:$0x3FFB];
	_ =	sdelay $0x3  }
0x94: {  	_ =	strace s5  }
0x95: {  	s5 =	sld [smem:$0x3FFC];
	_ =	sdelay $0x3  }
0x96: {  	_ =	strace s5  }
0x97: {  	s5 =	sld [smem:$0x3FFD];
	_ =	sdelay $0x3  }
0x98: {  	_ =	strace s5  }
0x99: {  	_ =	strace $0x8FFFFFFF  }
0x9a: {  	s19 =	sld [smem:$0x3FDB];
	_ =	sdelay $0x1  }
0x9b: {  	s6 =	simm.s32 $_scs_section_size  }
0x9c: {  	s7 =	simm.s32 $_size__tile_overlayer_lowered;
	s8 =	simm.s32 $_tile_overlayer_lowered  }
0x9d: {  	s22 =	simm.s32 $0x1BFF;
	s21 =	sshll.u32 s8, $0x1;
	s5 =	sadd.s32 s6, s19  }
0x9e: {  	s9 =	simm.s32 $0x0;
	s20 =	sshll.u32 s7, $0x1;
	s7 =	sadd.s32 s21, s5  }
0x9f: {  	[timem:s9], [sflag:s22] =	dma.local [hbm:s7], s20  }
0xa0: {  	_ =	swait.ge [sflag:s22], s20  }
0xa1: {  	s6 =	ssub.s32 $0x0, s20;
	[sflag:s22] =	ssyncset.done $0x0  }
0xa2: {  	[sflag:s22] =	ssyncadd.s32 s6;
	_ =	sdelay $0x1  }
0xa3: {  	s23 =	simm.s32 $0x1B8B  }
0xa4: {  	_ =	swait.ge [sflag:s23], $0x1  }
0xa5: {  	[sflag:s23] =	ssyncset.done $0x0  }
0xa6: {  	s25 =	simm.s32 $0x1B8E;
	s24 =	sld [smem:$0x3FFE];
	[sflag:s23] =	ssyncadd.s32 $0xFFFFFFFF  }
0xa7: {  	s26 =	simm.s32 $execute0_lowered;
	[smem:$0x3FD2] =	sst s25  }
0xa8: {  	s7 =	sshll.u32 s26, $0x1;
	_ =	strace $0x80000046;
	[dreg:$0x1] =	wrdreg $0xFFFFFFFF  }
0xa9: {  	s28 =	simm.s32 $_size_execute0_lowered;
	s5 =	sadd.s32 s5, s7;
	[dreg:$0x0] =	wrdreg $0x0  }
0xaa: {  	s7 =	sshll.u32 s28, $0x1;
	[dreg:$0x2] =	wrdreg s5  }
0xab: {  	[dreg:$0x3] =	wrdreg s7  }
0xac: {  	[dreg:$0x4] =	wrdreg $0xC0  }
0xad: {  	_ =	task [dreg:s9], $0x5FFFF  }
0xae: {  	[dreg:$0x1] =	wrdreg $0xFFFFFFFF  }
0xaf: {  	[dreg:$0x0] =	wrdreg $0x60  }
0xb0: {  	[dreg:$0x2] =	wrdreg s2  }
0xb1: {  	[dreg:$0x3] =	wrdreg s18  }
0xb2: {  	[dreg:$0x4] =	wrdreg s4  }
0xb3: {  	[dreg:$0x5] =	wrdreg s24  }
0xb4: {  	[dreg:$0x6] =	wrdreg $0x9  }
0xb5: {  	_ =	task.clear_ibuf [dreg:s9], $0x7FFFF;
	_ =	strace $0x90000046  }
0xb6: {  	s29 =	simm.s32 $0x9;
	_ =	strace $0x80000048  }
0xb7: {  	_ =	swait.ge [sflag:s29], $0x1  }
0xb8: {  	[sflag:s29] =	ssyncadd.s32 $0xFFFFFFFF  }
0xb9: {  	_ =	strace $0x90000048  }
0xba: {  	_ =	sfence  }
0xbb: {  	s30 =	sld [smem:$0x0];
	_ =	sdelay $0x2  }
0xbc: {  	s31 =	sshll.u32 s1, $0xD;
	s1 =	sshrl.u32 s1, $0x2  }
0xbd: {  	s3 =	sand.u32 $0x4000, s31;
	s1 =	sadd.s32 s1, s30  }
0xbe: {  	s0 =	sor.u32 s3, s0;
	s1 =	sshll.u32 s1, $0x11  }
0xbf: {  	s0 =	sor.u32 s1, s0  }
0xc0: {  	s0 =	sadd.s32 $0x8F2B, s0  }
0xc1: {  	[sflag:s0] =	ssyncadd.remote.s32 $0x1  }
0xc2: {  	_ =	sfence.sel $0xFFFF  }
0xc3: {  	[dreg:$0x0] =	wrdreg $0xFFFFFFFF;
	(pc) =	sbr.abs _section_cstart, $3  }
0xc4: {  	[dreg:$0x1] =	wrdreg $0xFFFFFFFF  }
0xc5: {  	_ =	task.clear_ibuf [dreg:s9], $0x2FFFF;
	_ =	strace $0x9FFFFFFF  }
0xc6: {  	(tm) =	ssettm $0x7FFFFFFF  }
0xc7: {  	_ =	shalt  }
tec
execute0_lowered:
.L_overlay_start_1:
0x0: {  	(tag) =	ssettag $0x1  }
0x1: {  	s0 =	rddreg [dreg:$0x0]  }
0x2: {  	s1 =	rddreg [dreg:$0x1]  }
0x3: {  	s2 =	rddreg [dreg:$0x2]  }
0x4: {  	s4 =	rddreg [dreg:$0x3]  }
0x5: {  	s5 =	srdreg.scid;
	s6 =	stileid.u32;
	s3 =	simm.s32 $0x0  }
0x6: {  	s16 =	simm.s32 $0x180;
	s17 =	simm.s32 $0x8200;
	s18 =	simm.s32 $0xC200  }
0x7: {  	s19 =	simm.s32 $0x10200;
	s20 =	simm.s32 $0x14200;
	s21 =	simm.s32 $0x1  }
0x8: {  	s22 =	simm.s32 $0x200;
	s5 =	sand.u32 $0x1, s5;
	s6 =	sshll.u32 s6, $0x1  }
0x9: {  	s28 =	simm.s32 $0x0;
	[smem:$0x7FF] =	sst s3;
	s7 =	sor.u32 s5, s6  }
0xa: {  	_ =	strace $0x80000047;
	s5 =	ssub.s32 $0x2, s5;
	s6 =	sshll.u32 s7, $0x4  }
0xb: {  	s23 =	sshrl.u32 s5, $0x1;
	s24 =	sshll.u32 s7, $0x9;
	s25 =	sshll.u32 s7, $0x6  }
0xc: {  	s14 =	sshll.u32 s7, $0xD;
	s12 =	sadd.s32 s6, s4;
	s13 =	ssub.s32 s5, s23  }
0xd: {  	s9 =	sor.u32 $0x80, s24;
	s4 =	sadd.s32 s1, s25;
	s10 =	sor.u32 $0x100, s24  }
0xe: {  	s11 =	sor.u32 $0x180, s24;
	s23 =	simm.s32 $0x2;
	s24 =	simm.s32 $0x3  }
0xf: {  	s25 =	simm.s32 $0x18200;
	s26 =	sshrl.u32 s9, $0x3;
	s8 =	sshrl.u32 s10, $0x3  }
0x10: {  	s29 =	sshrl.u32 s11, $0x3;
	s30 =	sshll.u32 s9, $0x4;
	s31 =	sshll.u32 s10, $0x4  }
0x11: {  	s11 =	sshll.u32 s11, $0x4;
	s12 =	sadd.s32 $0x600, s12;
	s13 =	smax.u32 s13, $0x1  }
0x12: {  	s5 =	sadd.s32 s1, s26;
	s6 =	sadd.s32 s1, s8;
	s7 =	sadd.s32 s1, s29  }
0x13: {  	s8 =	sadd.s32 s0, s14;
	s9 =	sadd.s32 s0, s30;
	s10 =	sadd.s32 s0, s31  }
0x14: {  	vm0 =	vmmov $0x7fff;
	s11 =	sadd.s32 s0, s11;
	s14 =	simm.s32 $0x80;
	s26 =	simm.s32 $0x4  }
.LBB2_1:
0x15: {  	[tilespmem:s3], [sflag:$0x1] =	stream.linear.gather [hbm4b:s4+s3], $0x80, $0x38;
	[tilespmem:$0x18280] =	vst v63  }
0x16: {  	_ = 	snop  }
0x17: {  	[tilespmem:s14], [sflag:$0x1] =	stream.linear.gather [hbm4b:s5+s3], $0x80, $0x38;
	[tilespmem:$0x18280] =	vst v63  }
0x18: {  	s0 =	simm.s32 $0x100  }
0x19: {  	[tilespmem:s0], [sflag:$0x1] =	stream.linear.gather [hbm4b:s6+s3], $0x80, $0x38;
	[tilespmem:$0x18280] =	vst v63  }
0x1a: {  	_ = 	snop  }
0x1b: {  	[tilespmem:s16], [sflag:$0x1] =	stream.linear.gather [hbm4b:s7+s3], $0x80, $0x38;
	[tilespmem:$0x18280] =	vst v63  }
0x1c: {  	_ = 	snop  }
0x1d: {  	[tilespmem:s17], [sflag:$0x3] =	stream.linear.gather [hbm4b:s8+s3], $0x4000, $0x38;
	[tilespmem:$0x18280] =	vst v63  }
0x1e: {  	_ = 	snop  }
0x1f: {  	[tilespmem:s18], [sflag:$0x3] =	stream.linear.gather [hbm4b:s9+s3], $0x4000, $0x38;
	[tilespmem:$0x18280] =	vst v63  }
0x20: {  	_ = 	snop  }
0x21: {  	[tilespmem:s19], [sflag:$0x3] =	stream.linear.gather [hbm4b:s10+s3], $0x4000, $0x38;
	[tilespmem:$0x18280] =	vst v63  }
0x22: {  	_ = 	snop  }
0x23: {  	[tilespmem:s20], [sflag:$0x3] =	stream.linear.gather [hbm4b:s11+s3], $0x4000, $0x38;
	[tilespmem:$0x18280] =	vst v63  }
0x24: {  	_ =	swait.ge [sflag:s21], $0x80  }
0x25: {  	[sflag:s21] =	ssyncset.done $0x0  }
0x26: {  	[sflag:s21] =	ssyncadd.s32 $0xFFFFFF80  }
0x27: {  	_ =	swait.ge [sflag:s21], $0x80  }
0x28: {  	[sflag:s21] =	ssyncset.done $0x0  }
0x29: {  	[sflag:s21] =	ssyncadd.s32 $0xFFFFFF80  }
0x2a: {  	_ =	swait.ge [sflag:s21], $0x80  }
0x2b: {  	[sflag:s21] =	ssyncset.done $0x0  }
0x2c: {  	[sflag:s21] =	ssyncadd.s32 $0xFFFFFF80  }
0x2d: {  	_ =	swait.ge [sflag:s21], $0x80  }
0x2e: {  	[sflag:s21] =	ssyncset.done $0x0  }
0x2f: {  	s29 =	simm.s32 $0x8300;
	s30 =	simm.s32 $0x0;
	[sflag:s21] =	ssyncadd.s32 $0xFFFFFF80  }
0x30: {  	v0 =	vimm.f32 $0.0e+00;
	[tilespmem:s22], [sflag:$0x2] =	stream.indirect.gather [hbm4b:s2+s14], $0x80, s3, s14, $0xb8;
	[tilespmem:$0x18280] =	vst v63  }
.LBB2_2:
0x31: {  	_ =	swait.ge [sflag:s23], $0x4000  }
0x32: {  	p0 =	seq.s32 s30, $0x3;
	[sflag:s23] =	ssyncset.done $0x0  }
0x33: {  	s0 =	sshll.u32 @!p0 s30, $0xE;
	s1 =	sshll.u32 @!p0 s30, $0x7;
	[sflag:s23] =	ssyncadd.s32 $0xFFFFC000  }
0x34: {  	s15 =	simm.s32 @!p0 $0x80;
	s0 =	sand.u32 @!p0 $0x4000, s0;
	_ =	swait.ge [sflag:s24], $0x4000  }
0x35: {  	s1 =	sand.u32 @!p0 $0x3FFFFF80, s1;
	s31 =	sxor.u32 @!p0 $0x4200, s0;
	[sflag:s24] =	ssyncset.done $0x0  }
0x36: {  	s1 =	sadd.s32 @!p0 $0x80, s1;
	s0 =	simm.s32 @p0 $0x4000;
	[sflag:s24] =	ssyncadd.s32 $0xFFFFC000  }
0x37: {  	[tilespmem:s31], [sflag:$0x2] =	stream.indirect.gather @!p0 [hbm4b:s2+s15], $0x80, s1, s15, $0xb8;
	[tilespmem:$0x18280] =	vst v63  }
0x38: {  	s31 =	sadd.s32 $0x300, s0;
	v1 =	vld [tilespmem:s29+$0x80]  }
0x39: {  	v2 =	vld [tilespmem:s31+$0x80]  }
0x3a: {  	v3 =	vld [tilespmem:s29+$0x90]  }
0x3b: {  	v4 =	vld [tilespmem:s31+$0x90]  }
0x3c: {  	v5 =	vld [tilespmem:s29+$0xA0]  }
0x3d: {  	v6 =	vld [tilespmem:s31+$0xA0]  }
0x3e: {  	v7 =	vld [tilespmem:s29+$0xB0]  }
0x3f: {  	v8 =	vld [tilespmem:s31+$0xB0]  }
0x40: {  	v9 =	vld [tilespmem:s29+$0xC0]  }
0x41: {  	v10 =	vld [tilespmem:s31+$0xC0]  }
0x42: {  	v11 =	vld [tilespmem:s29+$0xD0]  }
0x43: {  	v12 =	vld [tilespmem:s31+$0xD0]  }
0x44: {  	v13 =	vld [tilespmem:s29+$0xE0]  }
0x45: {  	v14 =	vld [tilespmem:s31+$0xE0]  }
0x46: {  	v15 =	vld [tilespmem:s29+$0xF0]  }
0x47: {  	v16 =	vld [tilespmem:s31+$0xF0]  }
0x48: {  	v17 =	vld [tilespmem:s29+$0x0]  }
0x49: {  	v18 =	vld [tilespmem:s31+$0x0]  }
0x4a: {  	v19 =	vld [tilespmem:s29+$0x10]  }
0x4b: {  	v20 =	vld [tilespmem:s31+$0x10]  }
0x4c: {  	v21 =	vld [tilespmem:s29+$0x20]  }
0x4d: {  	v22 =	vld [tilespmem:s31+$0x20]  }
0x4e: {  	v23 =	vld [tilespmem:s29+$0x30]  }
0x4f: {  	v24 =	vld [tilespmem:s31+$0x30]  }
0x50: {  	v25 =	vld [tilespmem:s29+$0x40]  }
0x51: {  	v26 =	vld [tilespmem:s31+$0x40]  }
0x52: {  	v27 =	vld [tilespmem:s29+$0x50]  }
0x53: {  	v28 =	vld [tilespmem:s31+$0x50]  }
0x54: {  	v29 =	vld [tilespmem:s29+$0x60]  }
0x55: {  	v30 =	vld [tilespmem:s31+$0x60]  }
0x56: {  	v31 =	vld [tilespmem:s29+$0x70]  }
0x57: {  	v32 =	vld [tilespmem:s31+$0x70]  }
0x58: {  	v33 =	vld [tilespmem:s29+$0xFFFFFF80]  }
0x59: {  	v34 =	vld [tilespmem:s31+$0xFFFFFF80]  }
0x5a: {  	v35 =	vld [tilespmem:s29+$0xFFFFFF90]  }
0x5b: {  	v36 =	vld [tilespmem:s31+$0xFFFFFF90]  }
0x5c: {  	v37 =	vld [tilespmem:s29+$0xFFFFFFA0]  }
0x5d: {  	v38 =	vld [tilespmem:s31+$0xFFFFFFA0]  }
0x5e: {  	v39 =	vld [tilespmem:s29+$0xFFFFFFB0]  }
0x5f: {  	v40 =	vld [tilespmem:s31+$0xFFFFFFB0]  }
0x60: {  	v41 =	vld [tilespmem:s29+$0xFFFFFFC0]  }
0x61: {  	v42 =	vld [tilespmem:s31+$0xFFFFFFC0]  }
0x62: {  	v43 =	vld [tilespmem:s29+$0xFFFFFFD0]  }
0x63: {  	v44 =	vld [tilespmem:s31+$0xFFFFFFD0]  }
0x64: {  	v45 =	vld [tilespmem:s29+$0xFFFFFFE0]  }
0x65: {  	v46 =	vld [tilespmem:s31+$0xFFFFFFE0]  }
0x66: {  	v47 =	vld [tilespmem:s29+$0xFFFFFFF0]  }
0x67: {  	v48 =	vld [tilespmem:s31+$0xFFFFFFF0]  }
0x68: {  	v49 =	vld [tilespmem:s29+$0xFFFFFF00];
	v50 =	vsub.f32 v1, v2  }
0x69: {  	v52 =	vld [tilespmem:s31+$0xFFFFFF00];
	v51 =	vsub.f32 v3, v4;
	v5 =	vsub.f32 v5, v6  }
0x6a: {  	v53 =	vld [tilespmem:s29+$0xFFFFFF10];
	v7 =	vsub.f32 v7, v8;
	v8 =	vsub.f32 v9, v10  }
0x6b: {  	v54 =	vld [tilespmem:s31+$0xFFFFFF50];
	v9 =	vsub.f32 v11, v12;
	v12 =	vsub.f32 v13, v14  }
0x6c: {  	v58 =	vld [tilespmem:s29+$0xFFFFFF60];
	v13 =	vsub.f32 v15, v16;
	v15 =	vsub.f32 v17, v18  }
0x6d: {  	v60 =	vld [tilespmem:s31+$0xFFFFFF60];
	v16 =	vsub.f32 v19, v20;
	v18 =	vsub.f32 v21, v22  }
0x6e: {  	v11 =	vld [tilespmem:s31+$0xFFFFFF10];
	v19 =	vsub.f32 v23, v24;
	v4 =	vsub.f32 v25, v26  }
0x6f: {  	v14 =	vld [tilespmem:s29+$0xFFFFFF20];
	v3 =	vsub.f32 v27, v28;
	v2 =	vsub.f32 v29, v30  }
0x70: {  	v17 =	vld [tilespmem:s31+$0xFFFFFF20];
	v1 =	vsub.f32 v31, v32;
	v24 =	vsub.f32 v33, v34  }
0x71: {  	v21 =	vld [tilespmem:s29+$0xFFFFFF30];
	v26 =	vsub.f32 v35, v36;
	v28 =	vsub.f32 v37, v38  }
0x72: {  	v22 =	vld [tilespmem:s31+$0xFFFFFF30];
	v29 =	vsub.f32 v39, v40;
	v31 =	vsub.f32 v41, v42;
	v56 =	vmul.f32 v50, v50  }
0x73: {  	v23 =	vld [tilespmem:s29+$0xFFFFFF40];
	v32 =	vsub.f32 v43, v44;
	v57 =	vmul.f32 v51, v51;
	v6 =	vmul.f32 v5, v5  }
0x74: {  	v25 =	vld [tilespmem:s31+$0xFFFFFF40];
	v55 =	vsub.f32 v45, v46;
	v7 =	vmul.f32 v7, v7;
	v8 =	vmul.f32 v8, v8  }
0x75: {  	v30 =	vld [tilespmem:s29+$0xFFFFFF50];
	v5 =	vsub.f32 v49, v52;
	v10 =	vmul.f32 v9, v9;
	v9 =	vmul.f32 v12, v12  }
0x76: {  	v62 =	vld [tilespmem:s29+$0xFFFFFF70];
	v59 =	vsub.f32 v47, v48;
	v12 =	vmul.f32 v18, v18;
	v27 =	vmul.f32 v26, v26  }
0x77: {  	v63 =	vld [tilespmem:s31+$0xFFFFFF70];
	v26 =	vmul.f32 v29, v29;
	v29 =	vmul.f32 v5, v5;
	v61 =	vsub.f32 v53, v11  }
0x78: {  	v11 =	vmul.f32 v13, v13;
	v20 =	vsub.f32 v14, v17;
	v14 =	vmul.f32 v15, v15  }
0x79: {  	v15 =	vmul.f32 v16, v16;
	v21 =	vsub.f32 v21, v22;
	v13 =	vmul.f32 v19, v19  }
0x7a: {  	v19 =	vsub.f32 v23, v25;
	v25 =	vmul.f32 v24, v24;
	v18 =	vsub.f32 v30, v54  }
0x7b: {  	v24 =	vmul.f32 v28, v28;
	v17 =	vsub.f32 v58, v60;
	v28 =	vmul.f32 v31, v31  }
0x7c: {  	v30 =	vmul.f32 v32, v32;
	v16 =	vsub.f32 v62, v63;
	v22 =	vmul.f32 v55, v55  }
0x7d: {  	s0 =	simm.s32 $0x0;
	s1 =	sadd.s32 $0x200, s29;
	v23 =	vmul.f32 v59, v59;
	v32 =	vadd.f32 v57, v56;
	v31 =	vmul.f32 v61, v61  }
.LBB2_3:
0x7e: {  	v5 =	vld [tilespmem:s1+$0x80];
	v20 =	vmul.f32 v20, v20;
	v33 =	vadd.f32 v7, v6;
	v10 =	vadd.f32 v10, v8;
	s31 =	sadd.s32 $0x200, s31  }
0x7f: {  	v21 =	vmul.f32 v21, v21;
	v25 =	vadd.f32 v27, v25;
	v9 =	vadd.f32 v11, v9;
	v6 =	vld [tilespmem:s31+$0x80]  }
0x80: {  	v19 =	vmul.f32 v19, v19;
	v24 =	vadd.f32 v26, v24;
	v26 =	vadd.f32 v30, v28;
	v7 =	vld [tilespmem:s1+$0x90]  }
0x81: {  	v18 =	vmul.f32 v18, v18;
	v11 =	vadd.f32 v33, v32;
	v27 =	vadd.f32 v9, v10;
	v8 =	vld [tilespmem:s31+$0x90]  }
0x82: {  	v17 =	vmul.f32 v17, v17;
	v22 =	vadd.f32 v23, v22;
	v28 =	vadd.f32 v31, v29;
	v9 =	vld [tilespmem:s1+$0xA0]  }
0x83: {  	v16 =	vmul.f32 v16, v16;
	v20 =	vadd.f32 v21, v20;
	v21 =	vadd.f32 v27, v11;
	v10 =	vld [tilespmem:s31+$0xA0]  }
0x84: {  	v4 =	vmul.f32 v4, v4;
	v23 =	vadd.f32 v24, v25;
	v22 =	vadd.f32 v22, v26;
	v11 =	vld [tilespmem:s1+$0xB0]  }
0x85: {  	v3 =	vmul.f32 v3, v3;
	v18 =	vadd.f32 v18, v19;
	v16 =	vadd.f32 v16, v17;
	v24 =	vld [tilespmem:s31+$0xB0];
	(xrf2) =	vadd.scan.msk.f32 $0xffff, v21  }
0x86: {  	v2 =	vmul.f32 v2, v2;
	v14 =	vadd.f32 v15, v14;
	v19 =	vadd.f32 v22, v23;
	v17 =	vld [tilespmem:s1+$0xC0]  }
0x87: {  	v1 =	vmul.f32 v1, v1;
	v20 =	vadd.f32 v20, v28;
	v16 =	vadd.f32 v16, v18;
	v15 =	vld [tilespmem:s31+$0xC0]  }
0x88: {  	v12 =	vadd.f32 v13, v12;
	v3 =	vadd.f32 v3, v4;
	v18 =	vld [tilespmem:s1+$0xD0];
	(xrf2) =	vadd.scan.msk.f32 $0xffff, v19  }
0x89: {  	v1 =	vadd.f32 v1, v2;
	v13 =	vadd.f32 v16, v20;
	v4 =	vld [tilespmem:s31+$0xD0]  }
0x8a: {  	v2 =	vld [tilespmem:s1+$0xE0]  }
0x8b: {  	v12 =	vadd.f32 v12, v14;
	v1 =	vadd.f32 v1, v3;
	v16 =	vld [tilespmem:s31+$0xE0];
	(xrf2) =	vadd.scan.msk.f32 $0xffff, v13  }
0x8c: {  	v3 =	vld [tilespmem:s1+$0xF0]  }
0x8d: {  	v19 =	vadd.f32 v1, v12;
	v13 =	vld [tilespmem:s31+$0xF0]  }
0x8e: {  	v12 =	vld [tilespmem:s1+$0x0]  }
0x8f: {  	v14 =	vld [tilespmem:s31+$0x0];
	(xrf2) =	vadd.scan.msk.f32 $0xffff, v19;
	v1, _, _ =	vpop (xrf2)  }
0x90: {  	v19 =	vld [tilespmem:s1+$0x10]  }
0x91: {  	v20 =	vld [tilespmem:s31+$0x10]  }
0x92: {  	v21 =	vld [tilespmem:s1+$0x20];
	v22, _, _ =	vpop (xrf2)  }
0x93: {  	v23 =	vld [tilespmem:s31+$0x20]  }
0x94: {  	v25 =	vld [tilespmem:s1+$0x30]  }
0x95: {  	v26 =	vld [tilespmem:s31+$0x30];
	v27, _, _ =	vpop (xrf2)  }
0x96: {  	v28 =	vld [tilespmem:s1+$0x40];
	v27 =	vmax.f32 v27, $9.999999960e-13  }
0x97: {  	v29 =	vld [tilespmem:s31+$0x40];
	v33 =	vmin.f32 v27, $9.999999950e+11  }
0x98: {  	v22 =	vmax.f32 v22, $9.999999960e-13;
	v30 =	vld [tilespmem:s1+$0x50];
	v32 =	vsel vm0, $0x0, v33  }
0x99: {  	v22 =	vmin.f32 v22, $9.999999950e+11;
	v31 =	vld [tilespmem:s31+$0x50];
	v0 =	vadd.f32 v32, v0;
	v27, _, _ =	vpop (xrf2)  }
0x9a: {  	v22 =	vsel vm0, $0x0, v22;
	v32 =	vld [tilespmem:s1+$0x60];
	v27 =	vmax.f32 v27, $9.999999960e-13  }
0x9b: {  	v33 =	vld [tilespmem:s31+$0x60];
	v0 =	vadd.f32 v22, v0;
	v22 =	vmin.f32 v27, $9.999999950e+11  }
0x9c: {  	v1 =	vmax.f32 v1, $9.999999960e-13;
	v27 =	vld [tilespmem:s1+$0x70];
	v22 =	vsel vm0, $0x0, v22  }
0x9d: {  	v1 =	vmin.f32 v1, $9.999999950e+11;
	v34 =	vld [tilespmem:s31+$0x70];
	v0 =	vadd.f32 v22, v0  }
0x9e: {  	v1 =	vsel vm0, $0x0, v1;
	v22 =	vld [tilespmem:s1+$0xFFFFFF80]  }
0x9f: {  	v35 =	vld [tilespmem:s31+$0xFFFFFF80];
	v0 =	vadd.f32 v1, v0  }
0xa0: {  	v36 =	vld [tilespmem:s1+$0xFFFFFF90]  }
0xa1: {  	v37 =	vld [tilespmem:s31+$0xFFFFFF90]  }
0xa2: {  	v38 =	vld [tilespmem:s1+$0xFFFFFFA0]  }
0xa3: {  	v39 =	vld [tilespmem:s31+$0xFFFFFFA0]  }
0xa4: {  	v40 =	vld [tilespmem:s1+$0xFFFFFFB0]  }
0xa5: {  	v41 =	vld [tilespmem:s31+$0xFFFFFFB0]  }
0xa6: {  	v42 =	vld [tilespmem:s1+$0xFFFFFFC0]  }
0xa7: {  	v43 =	vld [tilespmem:s31+$0xFFFFFFC0]  }
0xa8: {  	v44 =	vld [tilespmem:s1+$0xFFFFFFD0]  }
0xa9: {  	v45 =	vld [tilespmem:s31+$0xFFFFFFD0]  }
0xaa: {  	v46 =	vld [tilespmem:s1+$0xFFFFFFE0]  }
0xab: {  	v47 =	vld [tilespmem:s31+$0xFFFFFFE0]  }
0xac: {  	v48 =	vld [tilespmem:s1+$0xFFFFFFF0]  }
0xad: {  	v49 =	vld [tilespmem:s31+$0xFFFFFFF0]  }
0xae: {  	v5 =	vsub.f32 v5, v6;
	v6 =	vsub.f32 v7, v8;
	v50 =	vld [tilespmem:s1+$0xFFFFFF00]  }
0xaf: {  	v7 =	vsub.f32 v9, v10;
	v9 =	vsub.f32 v11, v24;
	v8 =	vld [tilespmem:s31+$0xFFFFFF00]  }
0xb0: {  	v10 =	vsub.f32 v17, v15;
	v15 =	vsub.f32 v18, v4;
	v11 =	vld [tilespmem:s1+$0xFFFFFF10]  }
0xb1: {  	v16 =	vsub.f32 v2, v16;
	v13 =	vsub.f32 v3, v13;
	v17 =	vld [tilespmem:s31+$0xFFFFFF10]  }
0xb2: {  	v12 =	vsub.f32 v12, v14;
	v19 =	vsub.f32 v19, v20;
	v18 =	vld [tilespmem:s1+$0xFFFFFF20]  }
0xb3: {  	v23 =	vsub.f32 v21, v23;
	v24 =	vsub.f32 v25, v26;
	v14 =	vld [tilespmem:s31+$0xFFFFFF20]  }
0xb4: {  	v4 =	vsub.f32 v28, v29;
	v3 =	vsub.f32 v30, v31;
	v21 =	vld [tilespmem:s1+$0xFFFFFF30]  }
0xb5: {  	v2 =	vsub.f32 v32, v33;
	v1 =	vsub.f32 v27, v34;
	v25 =	vld [tilespmem:s31+$0xFFFFFF30]  }
0xb6: {  	v22 =	vsub.f32 v22, v35;
	v27 =	vsub.f32 v36, v37;
	v26 =	vld [tilespmem:s1+$0xFFFFFF40]  }
0xb7: {  	v29 =	vsub.f32 v38, v39;
	v30 =	vsub.f32 v40, v41;
	v28 =	vld [tilespmem:s31+$0xFFFFFF40]  }
0xb8: {  	v32 =	vsub.f32 v42, v43;
	v33 =	vsub.f32 v44, v45;
	v31 =	vld [tilespmem:s1+$0xFFFFFF50]  }
0xb9: {  	v5 =	vmul.f32 v5, v5;
	v36 =	vmul.f32 v6, v6;
	v35 =	vsub.f32 v46, v47;
	v34 =	vld [tilespmem:s31+$0xFFFFFF50]  }
0xba: {  	v6 =	vmul.f32 v7, v7;
	v7 =	vmul.f32 v9, v9;
	v38 =	vsub.f32 v48, v49;
	v37 =	vld [tilespmem:s1+$0xFFFFFF60]  }
0xbb: {  	v39 =	vsub.f32 v50, v8;
	v8 =	vmul.f32 v10, v10;
	v10 =	vmul.f32 v15, v15;
	v40 =	vld [tilespmem:s31+$0xFFFFFF60]  }
0xbc: {  	v9 =	vmul.f32 v16, v16;
	v41 =	vsub.f32 v11, v17;
	v11 =	vmul.f32 v13, v13;
	v42 =	vld [tilespmem:s1+$0xFFFFFF70]  }
0xbd: {  	s0 =	sadd.s32 $0x4, s0;
	v15 =	vmul.f32 v19, v19;
	v20 =	vsub.f32 v18, v14;
	v14 =	vmul.f32 v12, v12;
	v16 =	vld [tilespmem:s31+$0xFFFFFF70]  }
0xbe: {  	p0 =	slt.u32 s0, $0x7C;
	v13 =	vmul.f32 v24, v24;
	v12 =	vmul.f32 v23, v23;
	v21 =	vsub.f32 v21, v25  }
.Ltmp0:
0xbf: {  	v27 =	vmul.f32 v27, v27;
	v25 =	vmul.f32 v22, v22;
	v19 =	vsub.f32 v26, v28;
	(pc) =	sbr.rel @p0 .LBB2_3-.Ltmp0, $4  }
0xc0: {  	v24 =	vmul.f32 v29, v29;
	v26 =	vmul.f32 v30, v30;
	v18 =	vsub.f32 v31, v34  }
0xc1: {  	v28 =	vmul.f32 v32, v32;
	v30 =	vmul.f32 v33, v33;
	v17 =	vsub.f32 v37, v40  }
0xc2: {  	v23 =	vmul.f32 v38, v38;
	v22 =	vmul.f32 v35, v35;
	v16 =	vsub.f32 v42, v16  }
0xc3: {  	v29 =	vmul.f32 v39, v39;
	v32 =	vadd.f32 v36, v5;
	s1 =	sadd.s32 $0x200, s1;
	v31 =	vmul.f32 v41, v41  }
0xc4: {  	v5 =	vmul.f32 v20, v20  }
0xc5: {  	v6 =	vadd.f32 v7, v6;
	v49 =	vadd.f32 v10, v8;
	v50 =	vmul.f32 v21, v21  }
0xc6: {  	v51 =	vadd.f32 v27, v25;
	v9 =	vadd.f32 v11, v9;
	v52 =	vmul.f32 v19, v19  }
0xc7: {  	v53 =	vadd.f32 v26, v24;
	v54 =	vadd.f32 v30, v28;
	v18 =	vmul.f32 v18, v18  }
0xc8: {  	v55 =	vmul.f32 v17, v17;
	v57 =	vadd.f32 v23, v22;
	v56 =	vadd.f32 v31, v29  }
0xc9: {  	v16 =	vmul.f32 v16, v16;
	v6 =	vadd.f32 v6, v32;
	v7 =	vadd.f32 v9, v49  }
0xca: {  	v5 =	vadd.f32 v50, v5;
	v58 =	vadd.f32 v53, v51  }
0xcb: {  	v60 =	vadd.f32 v18, v52;
	v9 =	vadd.f32 v16, v55  }
0xcc: {  	v59 =	vadd.f32 v57, v54;
	v6 =	vadd.f32 v7, v6  }
0xcd: {  	v5 =	vadd.f32 v5, v56;
	v9 =	vadd.f32 v9, v60  }
0xce: {  	v4 =	vmul.f32 v4, v4;
	v3 =	vmul.f32 v3, v3;
	v7 =	vadd.f32 v59, v58  }
0xcf: {  	v2 =	vmul.f32 v2, v2;
	v1 =	vmul.f32 v1, v1;
	(xrf2) =	vadd.scan.msk.f32 $0xffff, v6;
	v63 =	vadd.f32 v9, v5  }
0xd0: {  	v61 =	vadd.f32 v15, v14;
	v62 =	vadd.f32 v13, v12;
	(xrf2) =	vadd.scan.msk.f32 $0xffff, v7  }
0xd1: {  	v3 =	vadd.f32 v3, v4;
	v1 =	vadd.f32 v1, v2;
	(xrf2) =	vadd.scan.msk.f32 $0xffff, v63;
	_ =	sdelay $0x1  }
0xd2: {  	v2 =	vadd.f32 v62, v61;
	v1 =	vadd.f32 v1, v3;
	_ =	sdelay $0x1  }
0xd3: {  	v1 =	vadd.f32 v1, v2;
	_ =	sdelay $0x1  }
0xd4: {  	(xrf2) =	vadd.scan.msk.f32 $0xffff, v1;
	_ =	sdelay $0x1  }
0xd5: {  	v1, _, _ =	vpop (xrf2)  }
0xd6: {  	v2, _, _ =	vpop (xrf2)  }
0xd7: {  	v3, _, _ =	vpop (xrf2)  }
0xd8: {  	v3 =	vmax.f32 v3, $9.999999960e-13  }
0xd9: {  	v3 =	vmin.f32 v3, $9.999999950e+11  }
0xda: {  	v3 =	vsel vm0, $0x0, v3;
	_ =	sdelay $0x1  }
0xdb: {  	v2 =	vmax.f32 v2, $9.999999960e-13  }
0xdc: {  	s30 =	sadd.s32 $0x1, s30;
	v2 =	vmin.f32 v2, $9.999999950e+11;
	v0 =	vadd.f32 v3, v0;
	v3, _, _ =	vpop (xrf2)  }
0xdd: {  	p0 =	sne.s32 s30, $0x4;
	v2 =	vsel vm0, $0x0, v2;
	v3 =	vmax.f32 v3, $9.999999960e-13  }
.Ltmp1:
0xde: {  	v0 =	vadd.f32 v2, v0;
	v2 =	vmin.f32 v3, $9.999999950e+11;
	(pc) =	sbr.rel @p0 .LBB2_2-.Ltmp1, $4  }
0xdf: {  	v1 =	vmax.f32 v1, $9.999999960e-13;
	v2 =	vsel vm0, $0x0, v2  }
0xe0: {  	v1 =	vmin.f32 v1, $9.999999950e+11;
	v0 =	vadd.f32 v2, v0  }
0xe1: {  	v1 =	vsel vm0, $0x0, v1  }
0xe2: {  	s29 =	sadd.s32 $0x4000, s29;
	v0 =	vadd.f32 v1, v0  }
0xe3: {  	s28 =	sadd.s32 $0x1, s28  }
0xe4: {  	p0 =	sne.s32 s28, s13  }
.Ltmp2:
0xe5: {  	[tilespmem:$0x18200] =	vst v0;
	(pc) =	sbr.rel @p0 .LBB2_1-.Ltmp2, $4  }
0xe6: {  	[hbm4b:s12+s3] =	stream.linear.scatter [tilespmem:s25], [sflag:$0x4], $0x80, $0x38;
	[tilespmem:$0x18280] =	vst v63  }
0xe7: {  	_ =	swait.ge [sflag:s26], $0x80  }
0xe8: {  	[sflag:s26] =	ssyncset.done $0x0  }
0xe9: {  	[sflag:s26] =	ssyncadd.s32 $0xFFFFFF80  }
0xea: {  	_ =	sfence.sel $0x180000  }
0xeb: {  	[bflag:$0x0] =	sbarrier.arrive $0xFFFF  }
0xec: {  	_ =	strace $0x90000047  }
0xed: {  	s0 =	stileid.u32;
	[bflag:$0x2] =	sbarrier.arrive $0xFFFF  }
0xee: {  	p0 =	sne.s32 s0, $0x0;
	s0 =	rddreg [dreg:$0x4]  }
0xef: {  	s0 =	sadd.s32 @!p0 $0x100000, s0  }
0xf0: {  	[sflag:s0] =	ssyncadd.tile.s32 @!p0 $0x1;
	_ =	shalt  }
.Lfunc_end2:
_tile_overlayer_lowered:
.L_overlay_start_2:
0xf1: {  	(tag) =	ssettag $0x2  }
0xf2: {  	s0 =	rddreg [dreg:$0x0];
	s2 =	stileid.u32  }
0xf3: {  	s1 =	rddreg [dreg:$0x1];
	p0 =	sne.s32 s2, $0x0  }
0xf4: {  	s3 =	rddreg [dreg:$0x2];
	[bflag:$0x3] =	sbarrier.arrive $0xFFFF;
	s2 =	simm.s32 @!p0 $0x1C04  }
0xf5: {  	[timem:s3], [sflag:s2] =	dma.local @!p0 [hbm:s0], s1  }
0xf6: {  	s0 =	simm.s32 @!p0 $0x4  }
0xf7: {  	_ =	swait.ge @!p0 [sflag:s0], s1  }
0xf8: {  	s1 =	ssub.s32 @!p0 $0x0, s1;
	[sflag:s0] =	ssyncset.done @!p0 $0x0  }
0xf9: {  	[sflag:s0] =	ssyncadd.s32 @!p0 s1  }
0xfa: {  	[bflag:$0x3] =	sbarrier.arrive $0xFFFF  }
0xfb: {  	_ =	shalt  }

</sc_bundles>
